<compile_context>
chip_gen: v7x
topology: tpu7x:2x2x1
jax: 0.10.2.dev20260603
libtpu: 0.0.44.dev20260713+nightly
codegen_flags: <defaults>
</compile_context>

<pallas_src>
import functools

import jax
import jax.numpy as jnp
from jax import lax
from jax.experimental import pallas as pl
from jax.experimental.pallas import tpu as pltpu
from jax.experimental.pallas import tpu_sc as plsc

VOCAB = 8192
BATCH = 4096
D = 8192

_info = plsc.get_sparse_core_info()
NC, NS = _info.num_cores, _info.num_subcores
NW = NC * NS
B_PER_W = BATCH // NW
CHUNK = 2
NBUF = 4
SBUF = 3
NCHUNK = B_PER_W // CHUNK

_mesh = plsc.VectorSubcoreMesh(core_axis_name="c", subcore_axis_name="s")


@functools.partial(
    pl.kernel,
    mesh=_mesh,
    out_type=jax.ShapeDtypeStruct((BATCH, D), jnp.float32),
    scratch_types=[
        pltpu.VMEM((NCHUNK, CHUNK), jnp.int32),
        [pltpu.VMEM((CHUNK, D), jnp.float32) for _ in range(NBUF)],
        pltpu.VMEM_SHARED((NS, SBUF, CHUNK, D), jnp.float32),
        [pltpu.SemaphoreType.DMA for _ in range(NBUF)],
        [pltpu.SemaphoreType.DMA for _ in range(SBUF)],
        [pltpu.SemaphoreType.DMA for _ in range(SBUF)],
        pltpu.SemaphoreType.DMA,
    ],
)
def _gather_rows(table_hbm, idx_hbm, out_hbm, idx_v, bufs, shared,
                 gsems, xsems, wsems, osem):
    cid = lax.axis_index("c")
    sid = lax.axis_index("s")
    wid = sid * NC + cid
    base = wid * B_PER_W
    pltpu.sync_copy(idx_hbm.at[wid], idx_v)

    def out_slice(j):
        return out_hbm.at[pl.ds(base + j * CHUNK, CHUNK)]

    for b in range(NBUF):
        pltpu.async_copy(table_hbm.at[idx_v.at[b]], bufs[b], gsems[b])

    def body(i, carry):
        for b in range(SBUF):
            k = NBUF * i + b

            @pl.when(k >= NBUF)
            def _():
                pltpu.make_async_copy(shared.at[sid, b],
                                      out_slice(k - NBUF), wsems[b]).wait()

            pltpu.make_async_copy(table_hbm.at[idx_v.at[k]], bufs[b],
                                  gsems[b]).wait()
            pltpu.async_copy(bufs[b], shared.at[sid, b], xsems[b])
            pltpu.make_async_copy(bufs[b], shared.at[sid, b],
                                  xsems[b]).wait()
            pltpu.async_copy(shared.at[sid, b], out_slice(k), wsems[b])

            @pl.when(k + NBUF < NCHUNK)
            def _():
                pltpu.async_copy(table_hbm.at[idx_v.at[k + NBUF]],
                                 bufs[b], gsems[b])

        k = NBUF * i + NBUF - 1
        db = NBUF - 1
        pltpu.make_async_copy(table_hbm.at[idx_v.at[k]], bufs[db],
                              gsems[db]).wait()
        pltpu.async_copy(bufs[db], out_slice(k), osem)

        @pl.when(k + NBUF < NCHUNK)
        def _():
            pltpu.make_async_copy(bufs[db], out_slice(k), osem).wait()
            pltpu.async_copy(table_hbm.at[idx_v.at[k + NBUF]], bufs[db],
                             gsems[db])

        return carry

    lax.fori_loop(0, NCHUNK // NBUF, body, 0, unroll=False)

    for b in range(SBUF):
        j = NCHUNK - NBUF + b
        pltpu.make_async_copy(shared.at[sid, b], out_slice(j),
                              wsems[b]).wait()
    pltpu.make_async_copy(bufs[NBUF - 1], out_slice(NCHUNK - 1), osem).wait()


def kernel(x, table):
    idx = x.reshape(NW, NCHUNK, CHUNK).astype(jnp.int32)
    return _gather_rows(table, idx)

# --- scband reference (transcript-rebuilt; emitter-appended) ---
"""Pipeline reference for scband-tensor-bi-gram-model-48825188221631 (READ-ONLY COPY).

The authoritative reference and input builder live on the scoring server;
editing this copy changes nothing except your own understanding.
"""

import jax, jax.numpy as jnp
import numpy as np

VOCAB = 8192
BATCH = 4096

def setup_inputs(seed: int = 0) -> dict:
    key = jax.random.key(seed)
    k1, k2 = jax.random.split(key)
    x = jax.random.randint(k1, (BATCH, 1), 0, VOCAB)
    table = jax.random.normal(k2, (VOCAB, VOCAB), dtype=jnp.float32)
    return {"x": x, "table": table}

def reference(x, table):
    # embedding lookup: gather rows of the V x V table
    embed = jnp.take(table, x, axis=0)  # [B, 1, V]
    bi_gram_logits = embed.reshape(embed.shape[0], -1)  # [B, V]
    return bi_gram_logits

if __name__ == "__main__":
    import jax
    _d = setup_inputs()
    print(jax.jit(kernel)(*tuple(_d.values())))

</pallas_src>

<mosaic_0001>
#map = affine_map<(d0, d1) -> (0, 0)>
#map1 = affine_map<(d0, d1) -> (0, 0, 0)>
module attributes {stable_mosaic.version = 14 : i64} {
  func.func @_gather_rows(%arg0: i32, %arg1: i32, %arg2: memref<8192x8192xf32, #tpu.memory_space<hbm>>, %arg3: memref<32x64x2xi32, #tpu.memory_space<hbm>>, %arg4: memref<4096x8192xf32, #tpu.memory_space<hbm>>, %arg5: memref<64x2xi32, #tpu.memory_space<vmem>>, %arg6: memref<2x8192xf32, #tpu.memory_space<vmem>>, %arg7: memref<2x8192xf32, #tpu.memory_space<vmem>>, %arg8: memref<2x8192xf32, #tpu.memory_space<vmem>>, %arg9: memref<2x8192xf32, #tpu.memory_space<vmem>>, %arg10: memref<16x3x2x8192xf32, #tpu.memory_space<vmem_shared>>, %arg11: memref<!tpu.dma_semaphore, #tpu.memory_space<semaphore_mem>>, %arg12: memref<!tpu.dma_semaphore, #tpu.memory_space<semaphore_mem>>, %arg13: memref<!tpu.dma_semaphore, #tpu.memory_space<semaphore_mem>>, %arg14: memref<!tpu.dma_semaphore, #tpu.memory_space<semaphore_mem>>, %arg15: memref<!tpu.dma_semaphore, #tpu.memory_space<semaphore_mem>>, %arg16: memref<!tpu.dma_semaphore, #tpu.memory_space<semaphore_mem>>, %arg17: memref<!tpu.dma_semaphore, #tpu.memory_space<semaphore_mem>>, %arg18: memref<!tpu.dma_semaphore, #tpu.memory_space<semaphore_mem>>, %arg19: memref<!tpu.dma_semaphore, #tpu.memory_space<semaphore_mem>>, %arg20: memref<!tpu.dma_semaphore, #tpu.memory_space<semaphore_mem>>, %arg21: memref<!tpu.dma_semaphore, #tpu.memory_space<semaphore_mem>>) attributes {dimension_semantics = [#tpu.dimension_semantics<core_parallel>, #tpu.dimension_semantics<subcore_parallel>], iteration_bounds = array<i64: 2, 16>, scalar_prefetch = 0 : i64, scratch_operands = 17 : i64, tpu.core_type = #tpu.core_type<sc_vector_subcore>, window_params = [{transform_indices = #map}, {transform_indices = #map1}, {transform_indices = #map}]} {
    %mul3A = arith.constant 2 : i32
    %mul3A_0 = arith.muli %arg1, %mul3A : i32
    %add3A = arith.addi %mul3A_0, %arg0 : i32
    %mul3A_1 = arith.constant 128 : i32
    %mul3A_2 = arith.muli %add3A, %mul3A_1 : i32
    "tpu.region"() ({
      %run_scoped3A = tpu.sem_alloc : memref<!tpu.dma_semaphore, #tpu.memory_space<semaphore_mem>>
      %dma_start3A_67 = arith.constant 0 : i32
      %dma_start3A_68 = arith.constant 0 : i32
      %dma_start3A_69 = tpu.memref_slice %arg3[%add3A, %dma_start3A_67, %dma_start3A_68] : memref<32x64x2xi32, #tpu.memory_space<hbm>> -> memref<1x64x2xi32, #tpu.memory_space<hbm>>
      %dma_start3A_70 = tpu.memref_squeeze %dma_start3A_69 : memref<1x64x2xi32, #tpu.memory_space<hbm>> -> memref<64x2xi32, #tpu.memory_space<hbm>>
      %dma_start3A_71 = arith.constant 0 : i32
      %dma_start3A_72 = arith.constant 0 : i32
      %dma_start3A_73 = tpu.memref_slice %arg3[%add3A, %dma_start3A_71, %dma_start3A_72] : memref<32x64x2xi32, #tpu.memory_space<hbm>> -> memref<1x64x2xi32, #tpu.memory_space<hbm>>
      %dma_start3A_74 = tpu.memref_squeeze %dma_start3A_73 : memref<1x64x2xi32, #tpu.memory_space<hbm>> -> memref<64x2xi32, #tpu.memory_space<hbm>>
      tpu.enqueue_dma source(%dma_start3A_74 : memref<64x2xi32, #tpu.memory_space<hbm>>) target(%arg5 : memref<64x2xi32, #tpu.memory_space<vmem>>) target_semaphore(%run_scoped3A : memref<!tpu.dma_semaphore, #tpu.memory_space<semaphore_mem>>)
      %dma_wait3A_75 = arith.constant 0 : i32
      %dma_wait3A_76 = arith.constant 0 : i32
      %dma_wait3A_77 = tpu.memref_slice %arg3[%add3A, %dma_wait3A_75, %dma_wait3A_76] : memref<32x64x2xi32, #tpu.memory_space<hbm>> -> memref<1x64x2xi32, #tpu.memory_space<hbm>>
      %dma_wait3A_78 = tpu.memref_squeeze %dma_wait3A_77 : memref<1x64x2xi32, #tpu.memory_space<hbm>> -> memref<64x2xi32, #tpu.memory_space<hbm>>
      %dma_wait3A_79 = arith.constant 0 : i32
      %dma_wait3A_80 = arith.constant 0 : i32
      %dma_wait3A_81 = tpu.memref_slice %arg3[%add3A, %dma_wait3A_79, %dma_wait3A_80] : memref<32x64x2xi32, #tpu.memory_space<hbm>> -> memref<1x64x2xi32, #tpu.memory_space<hbm>>
      %dma_wait3A_82 = tpu.memref_squeeze %dma_wait3A_81 : memref<1x64x2xi32, #tpu.memory_space<hbm>> -> memref<64x2xi32, #tpu.memory_space<hbm>>
      tpu.wait_dma2 semaphore(%run_scoped3A : memref<!tpu.dma_semaphore, #tpu.memory_space<semaphore_mem>>) src(%dma_wait3A_82 : memref<64x2xi32, #tpu.memory_space<hbm>>) dst(%arg5 : memref<64x2xi32, #tpu.memory_space<vmem>>)
      tpu.yield
    }) : () -> ()
    %dma_start3A = arith.constant 0 : i32
    %dma_start3A_3 = arith.constant 0 : i32
    %dma_start3A_4 = tpu.memref_slice %arg5[%dma_start3A, %dma_start3A_3] : memref<64x2xi32, #tpu.memory_space<vmem>> -> memref<1x2xi32, #tpu.memory_space<vmem>>
    %dma_start3A_5 = tpu.memref_squeeze %dma_start3A_4 : memref<1x2xi32, #tpu.memory_space<vmem>> -> memref<2xi32, #tpu.memory_space<vmem>>
    %dma_start3A_6 = arith.constant 0 : i32
    %dma_start3A_7 = arith.constant 0 : i32
    %dma_start3A_8 = tpu.memref_slice %arg2[%dma_start3A_6, %dma_start3A_7] : memref<8192x8192xf32, #tpu.memory_space<hbm>> -> memref<8192x8192xf32, #tpu.memory_space<hbm>>
    tpu.enqueue_indirect_dma source(%dma_start3A_8 : memref<8192x8192xf32, #tpu.memory_space<hbm>>) target(%arg6 : memref<2x8192xf32, #tpu.memory_space<vmem>>) offsets(%dma_start3A_5 : memref<2xi32, #tpu.memory_space<vmem>>) semaphore(%arg11 : memref<!tpu.dma_semaphore, #tpu.memory_space<semaphore_mem>>)
    %dma_start3A_9 = arith.constant 1 : i32
    %dma_start3A_10 = arith.constant 0 : i32
    %dma_start3A_11 = tpu.memref_slice %arg5[%dma_start3A_9, %dma_start3A_10] : memref<64x2xi32, #tpu.memory_space<vmem>> -> memref<1x2xi32, #tpu.memory_space<vmem>>
    %dma_start3A_12 = tpu.memref_squeeze %dma_start3A_11 : memref<1x2xi32, #tpu.memory_space<vmem>> -> memref<2xi32, #tpu.memory_space<vmem>>
    %dma_start3A_13 = arith.constant 0 : i32
    %dma_start3A_14 = arith.constant 0 : i32
    %dma_start3A_15 = tpu.memref_slice %arg2[%dma_start3A_13, %dma_start3A_14] : memref<8192x8192xf32, #tpu.memory_space<hbm>> -> memref<8192x8192xf32, #tpu.memory_space<hbm>>
    tpu.enqueue_indirect_dma source(%dma_start3A_15 : memref<8192x8192xf32, #tpu.memory_space<hbm>>) target(%arg7 : memref<2x8192xf32, #tpu.memory_space<vmem>>) offsets(%dma_start3A_12 : memref<2xi32, #tpu.memory_space<vmem>>) semaphore(%arg12 : memref<!tpu.dma_semaphore, #tpu.memory_space<semaphore_mem>>)
    %dma_start3A_16 = arith.constant 2 : i32
    %dma_start3A_17 = arith.constant 0 : i32
    %dma_start3A_18 = tpu.memref_slice %arg5[%dma_start3A_16, %dma_start3A_17] : memref<64x2xi32, #tpu.memory_space<vmem>> -> memref<1x2xi32, #tpu.memory_space<vmem>>
    %dma_start3A_19 = tpu.memref_squeeze %dma_start3A_18 : memref<1x2xi32, #tpu.memory_space<vmem>> -> memref<2xi32, #tpu.memory_space<vmem>>
    %dma_start3A_20 = arith.constant 0 : i32
    %dma_start3A_21 = arith.constant 0 : i32
    %dma_start3A_22 = tpu.memref_slice %arg2[%dma_start3A_20, %dma_start3A_21] : memref<8192x8192xf32, #tpu.memory_space<hbm>> -> memref<8192x8192xf32, #tpu.memory_space<hbm>>
    tpu.enqueue_indirect_dma source(%dma_start3A_22 : memref<8192x8192xf32, #tpu.memory_space<hbm>>) target(%arg8 : memref<2x8192xf32, #tpu.memory_space<vmem>>) offsets(%dma_start3A_19 : memref<2xi32, #tpu.memory_space<vmem>>) semaphore(%arg13 : memref<!tpu.dma_semaphore, #tpu.memory_space<semaphore_mem>>)
    %dma_start3A_23 = arith.constant 3 : i32
    %dma_start3A_24 = arith.constant 0 : i32
    %dma_start3A_25 = tpu.memref_slice %arg5[%dma_start3A_23, %dma_start3A_24] : memref<64x2xi32, #tpu.memory_space<vmem>> -> memref<1x2xi32, #tpu.memory_space<vmem>>
    %dma_start3A_26 = tpu.memref_squeeze %dma_start3A_25 : memref<1x2xi32, #tpu.memory_space<vmem>> -> memref<2xi32, #tpu.memory_space<vmem>>
    %dma_start3A_27 = arith.constant 0 : i32
    %dma_start3A_28 = arith.constant 0 : i32
    %dma_start3A_29 = tpu.memref_slice %arg2[%dma_start3A_27, %dma_start3A_28] : memref<8192x8192xf32, #tpu.memory_space<hbm>> -> memref<8192x8192xf32, #tpu.memory_space<hbm>>
    tpu.enqueue_indirect_dma source(%dma_start3A_29 : memref<8192x8192xf32, #tpu.memory_space<hbm>>) target(%arg9 : memref<2x8192xf32, #tpu.memory_space<vmem>>) offsets(%dma_start3A_26 : memref<2xi32, #tpu.memory_space<vmem>>) semaphore(%arg14 : memref<!tpu.dma_semaphore, #tpu.memory_space<semaphore_mem>>)
    %scan3A = arith.constant 0 : i32
    %scan3A_30 = arith.constant 0 : i32
    %scan3A_31 = arith.constant 16 : i32
    %scan3A_32 = arith.addi %scan3A_30, %scan3A_31 : i32
    %scan3A_33 = arith.constant 1 : i32
    scf.for %scan3A_67 = %scan3A_30 to %scan3A_32 step %scan3A_33  : i32 {
      %mul3A_68 = arith.constant 4 : i32
      %mul3A_69 = arith.muli %mul3A_68, %scan3A_67 : i32
      %add3A_70 = arith.constant 0 : i32
      %add3A_71 = arith.addi %mul3A_69, %add3A_70 : i32
      %ge3A = arith.constant 4 : i32
      %ge3A_72 = arith.cmpi sge, %add3A_71, %ge3A : i32
      %convert_element_type3A = arith.extui %ge3A_72 : i1 to i32
      %cond3A = arith.constant 0 : i32
      %cond3A_73 = arith.cmpi ne, %convert_element_type3A, %cond3A : i32
      scf.if %cond3A_73 {
        %sub3A_239 = arith.constant 4 : i32
        %sub3A_240 = arith.subi %add3A_71, %sub3A_239 : i32
        %mul3A_241 = arith.constant 2 : i32
        %mul3A_242 = arith.muli %sub3A_240, %mul3A_241 : i32
        %add3A_243 = arith.addi %mul3A_2, %mul3A_242 : i32
        %dma_wait3A_244 = arith.constant 0 : i32
        %dma_wait3A_245 = arith.constant 0 : i32
        %dma_wait3A_246 = tpu.memref_slice %arg4[%add3A_243, %dma_wait3A_245] : memref<4096x8192xf32, #tpu.memory_space<hbm>> -> memref<2x8192xf32, #tpu.memory_space<hbm>>
        %dma_wait3A_247 = arith.constant 0 : i32
        %dma_wait3A_248 = arith.constant 0 : i32
        %dma_wait3A_249 = tpu.memref_slice %arg10[%arg1, %dma_wait3A_244, %dma_wait3A_247, %dma_wait3A_248] : memref<16x3x2x8192xf32, #tpu.memory_space<vmem_shared>> -> memref<1x1x2x8192xf32, #tpu.memory_space<vmem_shared>>
        %dma_wait3A_250 = tpu.memref_squeeze %dma_wait3A_249 : memref<1x1x2x8192xf32, #tpu.memory_space<vmem_shared>> -> memref<2x8192xf32, #tpu.memory_space<vmem_shared>>
        tpu.wait_dma2 semaphore(%arg18 : memref<!tpu.dma_semaphore, #tpu.memory_space<semaphore_mem>>) src(%dma_wait3A_250 : memref<2x8192xf32, #tpu.memory_space<vmem_shared>>) dst(%dma_wait3A_246 : memref<2x8192xf32, #tpu.memory_space<hbm>>)
      } else {
      }
      %dma_wait3A_74 = arith.constant 0 : i32
      %dma_wait3A_75 = tpu.memref_slice %arg5[%add3A_71, %dma_wait3A_74] : memref<64x2xi32, #tpu.memory_space<vmem>> -> memref<1x2xi32, #tpu.memory_space<vmem>>
      %dma_wait3A_76 = tpu.memref_squeeze %dma_wait3A_75 : memref<1x2xi32, #tpu.memory_space<vmem>> -> memref<2xi32, #tpu.memory_space<vmem>>
      %dma_wait3A_77 = arith.constant 0 : i32
      %dma_wait3A_78 = arith.constant 0 : i32
      %dma_wait3A_79 = tpu.memref_slice %arg2[%dma_wait3A_77, %dma_wait3A_78] : memref<8192x8192xf32, #tpu.memory_space<hbm>> -> memref<8192x8192xf32, #tpu.memory_space<hbm>>
      tpu.wait_indirect_dma semaphore(%arg11 : memref<!tpu.dma_semaphore, #tpu.memory_space<semaphore_mem>>) src(%dma_wait3A_79 : memref<8192x8192xf32, #tpu.memory_space<hbm>>) dst(%arg6 : memref<2x8192xf32, #tpu.memory_space<vmem>>)
      %dma_start3A_80 = arith.constant 0 : i32
      %dma_start3A_81 = arith.constant 0 : i32
      %dma_start3A_82 = arith.constant 0 : i32
      %dma_start3A_83 = tpu.memref_slice %arg10[%arg1, %dma_start3A_80, %dma_start3A_81, %dma_start3A_82] : memref<16x3x2x8192xf32, #tpu.memory_space<vmem_shared>> -> memref<1x1x2x8192xf32, #tpu.memory_space<vmem_shared>>
      %dma_start3A_84 = tpu.memref_squeeze %dma_start3A_83 : memref<1x1x2x8192xf32, #tpu.memory_space<vmem_shared>> -> memref<2x8192xf32, #tpu.memory_space<vmem_shared>>
      %dma_start3A_85 = arith.constant 0 : i32
      %dma_start3A_86 = arith.constant 0 : i32
      %dma_start3A_87 = tpu.memref_slice %arg10[%arg1, %dma_start3A_80, %dma_start3A_85, %dma_start3A_86] : memref<16x3x2x8192xf32, #tpu.memory_space<vmem_shared>> -> memref<1x1x2x8192xf32, #tpu.memory_space<vmem_shared>>
      %dma_start3A_88 = tpu.memref_squeeze %dma_start3A_87 : memref<1x1x2x8192xf32, #tpu.memory_space<vmem_shared>> -> memref<2x8192xf32, #tpu.memory_space<vmem_shared>>
      tpu.enqueue_dma source(%arg6 : memref<2x8192xf32, #tpu.memory_space<vmem>>) target(%dma_start3A_88 : memref<2x8192xf32, #tpu.memory_space<vmem_shared>>) target_semaphore(%arg15 : memref<!tpu.dma_semaphore, #tpu.memory_space<semaphore_mem>>)
      %dma_wait3A_89 = arith.constant 0 : i32
      %dma_wait3A_90 = arith.constant 0 : i32
      %dma_wait3A_91 = arith.constant 0 : i32
      %dma_wait3A_92 = tpu.memref_slice %arg10[%arg1, %dma_wait3A_89, %dma_wait3A_90, %dma_wait3A_91] : memref<16x3x2x8192xf32, #tpu.memory_space<vmem_shared>> -> memref<1x1x2x8192xf32, #tpu.memory_space<vmem_shared>>
      %dma_wait3A_93 = tpu.memref_squeeze %dma_wait3A_92 : memref<1x1x2x8192xf32, #tpu.memory_space<vmem_shared>> -> memref<2x8192xf32, #tpu.memory_space<vmem_shared>>
      %dma_wait3A_94 = arith.constant 0 : i32
      %dma_wait3A_95 = arith.constant 0 : i32
      %dma_wait3A_96 = tpu.memref_slice %arg10[%arg1, %dma_wait3A_89, %dma_wait3A_94, %dma_wait3A_95] : memref<16x3x2x8192xf32, #tpu.memory_space<vmem_shared>> -> memref<1x1x2x8192xf32, #tpu.memory_space<vmem_shared>>
      %dma_wait3A_97 = tpu.memref_squeeze %dma_wait3A_96 : memref<1x1x2x8192xf32, #tpu.memory_space<vmem_shared>> -> memref<2x8192xf32, #tpu.memory_space<vmem_shared>>
      tpu.wait_dma2 semaphore(%arg15 : memref<!tpu.dma_semaphore, #tpu.memory_space<semaphore_mem>>) src(%arg6 : memref<2x8192xf32, #tpu.memory_space<vmem>>) dst(%dma_wait3A_97 : memref<2x8192xf32, #tpu.memory_space<vmem_shared>>)
      %mul3A_98 = arith.constant 2 : i32
      %mul3A_99 = arith.muli %add3A_71, %mul3A_98 : i32
      %add3A_100 = arith.addi %mul3A_2, %mul3A_99 : i32
      %dma_start3A_101 = arith.constant 0 : i32
      %dma_start3A_102 = arith.constant 0 : i32
      %dma_start3A_103 = tpu.memref_slice %arg4[%add3A_100, %dma_start3A_102] : memref<4096x8192xf32, #tpu.memory_space<hbm>> -> memref<2x8192xf32, #tpu.memory_space<hbm>>
      %dma_start3A_104 = arith.constant 0 : i32
      %dma_start3A_105 = arith.constant 0 : i32
      %dma_start3A_106 = tpu.memref_slice %arg10[%arg1, %dma_start3A_101, %dma_start3A_104, %dma_start3A_105] : memref<16x3x2x8192xf32, #tpu.memory_space<vmem_shared>> -> memref<1x1x2x8192xf32, #tpu.memory_space<vmem_shared>>
      %dma_start3A_107 = tpu.memref_squeeze %dma_start3A_106 : memref<1x1x2x8192xf32, #tpu.memory_space<vmem_shared>> -> memref<2x8192xf32, #tpu.memory_space<vmem_shared>>
      tpu.enqueue_dma source(%dma_start3A_107 : memref<2x8192xf32, #tpu.memory_space<vmem_shared>>) target(%dma_start3A_103 : memref<2x8192xf32, #tpu.memory_space<hbm>>) target_semaphore(%arg18 : memref<!tpu.dma_semaphore, #tpu.memory_space<semaphore_mem>>)
      %add3A_108 = arith.constant 4 : i32
      %add3A_109 = arith.addi %add3A_71, %add3A_108 : i32
      %lt3A = arith.constant 64 : i32
      %lt3A_110 = arith.cmpi slt, %add3A_109, %lt3A : i32
      %convert_element_type3A_111 = arith.extui %lt3A_110 : i1 to i32
      %cond3A_112 = arith.constant 0 : i32
      %cond3A_113 = arith.cmpi ne, %convert_element_type3A_111, %cond3A_112 : i32
      scf.if %cond3A_113 {
        %add3A_239 = arith.constant 4 : i32
        %add3A_240 = arith.addi %add3A_71, %add3A_239 : i32
        %dma_start3A_241 = arith.constant 0 : i32
        %dma_start3A_242 = tpu.memref_slice %arg5[%add3A_240, %dma_start3A_241] : memref<64x2xi32, #tpu.memory_space<vmem>> -> memref<1x2xi32, #tpu.memory_space<vmem>>
        %dma_start3A_243 = tpu.memref_squeeze %dma_start3A_242 : memref<1x2xi32, #tpu.memory_space<vmem>> -> memref<2xi32, #tpu.memory_space<vmem>>
        %dma_start3A_244 = arith.constant 0 : i32
        %dma_start3A_245 = arith.constant 0 : i32
        %dma_start3A_246 = tpu.memref_slice %arg2[%dma_start3A_244, %dma_start3A_245] : memref<8192x8192xf32, #tpu.memory_space<hbm>> -> memref<8192x8192xf32, #tpu.memory_space<hbm>>
        tpu.enqueue_indirect_dma source(%dma_start3A_246 : memref<8192x8192xf32, #tpu.memory_space<hbm>>) target(%arg6 : memref<2x8192xf32, #tpu.memory_space<vmem>>) offsets(%dma_start3A_243 : memref<2xi32, #tpu.memory_space<vmem>>) semaphore(%arg11 : memref<!tpu.dma_semaphore, #tpu.memory_space<semaphore_mem>>)
      } else {
      }
      %mul3A_114 = arith.constant 4 : i32
      %mul3A_115 = arith.muli %mul3A_114, %scan3A_67 : i32
      %add3A_116 = arith.constant 1 : i32
      %add3A_117 = arith.addi %mul3A_115, %add3A_116 : i32
      %ge3A_118 = arith.constant 4 : i32
      %ge3A_119 = arith.cmpi sge, %add3A_117, %ge3A_118 : i32
      %convert_element_type3A_120 = arith.extui %ge3A_119 : i1 to i32
      %cond3A_121 = arith.constant 0 : i32
      %cond3A_122 = arith.cmpi ne, %convert_element_type3A_120, %cond3A_121 : i32
      scf.if %cond3A_122 {
        %sub3A_239 = arith.constant 4 : i32
        %sub3A_240 = arith.subi %add3A_117, %sub3A_239 : i32
        %mul3A_241 = arith.constant 2 : i32
        %mul3A_242 = arith.muli %sub3A_240, %mul3A_241 : i32
        %add3A_243 = arith.addi %mul3A_2, %mul3A_242 : i32
        %dma_wait3A_244 = arith.constant 1 : i32
        %dma_wait3A_245 = arith.constant 0 : i32
        %dma_wait3A_246 = tpu.memref_slice %arg4[%add3A_243, %dma_wait3A_245] : memref<4096x8192xf32, #tpu.memory_space<hbm>> -> memref<2x8192xf32, #tpu.memory_space<hbm>>
        %dma_wait3A_247 = arith.constant 0 : i32
        %dma_wait3A_248 = arith.constant 0 : i32
        %dma_wait3A_249 = tpu.memref_slice %arg10[%arg1, %dma_wait3A_244, %dma_wait3A_247, %dma_wait3A_248] : memref<16x3x2x8192xf32, #tpu.memory_space<vmem_shared>> -> memref<1x1x2x8192xf32, #tpu.memory_space<vmem_shared>>
        %dma_wait3A_250 = tpu.memref_squeeze %dma_wait3A_249 : memref<1x1x2x8192xf32, #tpu.memory_space<vmem_shared>> -> memref<2x8192xf32, #tpu.memory_space<vmem_shared>>
        tpu.wait_dma2 semaphore(%arg19 : memref<!tpu.dma_semaphore, #tpu.memory_space<semaphore_mem>>) src(%dma_wait3A_250 : memref<2x8192xf32, #tpu.memory_space<vmem_shared>>) dst(%dma_wait3A_246 : memref<2x8192xf32, #tpu.memory_space<hbm>>)
      } else {
      }
      %dma_wait3A_123 = arith.constant 0 : i32
      %dma_wait3A_124 = tpu.memref_slice %arg5[%add3A_117, %dma_wait3A_123] : memref<64x2xi32, #tpu.memory_space<vmem>> -> memref<1x2xi32, #tpu.memory_space<vmem>>
      %dma_wait3A_125 = tpu.memref_squeeze %dma_wait3A_124 : memref<1x2xi32, #tpu.memory_space<vmem>> -> memref<2xi32, #tpu.memory_space<vmem>>
      %dma_wait3A_126 = arith.constant 0 : i32
      %dma_wait3A_127 = arith.constant 0 : i32
      %dma_wait3A_128 = tpu.memref_slice %arg2[%dma_wait3A_126, %dma_wait3A_127] : memref<8192x8192xf32, #tpu.memory_space<hbm>> -> memref<8192x8192xf32, #tpu.memory_space<hbm>>
      tpu.wait_indirect_dma semaphore(%arg12 : memref<!tpu.dma_semaphore, #tpu.memory_space<semaphore_mem>>) src(%dma_wait3A_128 : memref<8192x8192xf32, #tpu.memory_space<hbm>>) dst(%arg7 : memref<2x8192xf32, #tpu.memory_space<vmem>>)
      %dma_start3A_129 = arith.constant 1 : i32
      %dma_start3A_130 = arith.constant 0 : i32
      %dma_start3A_131 = arith.constant 0 : i32
      %dma_start3A_132 = tpu.memref_slice %arg10[%arg1, %dma_start3A_129, %dma_start3A_130, %dma_start3A_131] : memref<16x3x2x8192xf32, #tpu.memory_space<vmem_shared>> -> memref<1x1x2x8192xf32, #tpu.memory_space<vmem_shared>>
      %dma_start3A_133 = tpu.memref_squeeze %dma_start3A_132 : memref<1x1x2x8192xf32, #tpu.memory_space<vmem_shared>> -> memref<2x8192xf32, #tpu.memory_space<vmem_shared>>
      %dma_start3A_134 = arith.constant 0 : i32
      %dma_start3A_135 = arith.constant 0 : i32
      %dma_start3A_136 = tpu.memref_slice %arg10[%arg1, %dma_start3A_129, %dma_start3A_134, %dma_start3A_135] : memref<16x3x2x8192xf32, #tpu.memory_space<vmem_shared>> -> memref<1x1x2x8192xf32, #tpu.memory_space<vmem_shared>>
      %dma_start3A_137 = tpu.memref_squeeze %dma_start3A_136 : memref<1x1x2x8192xf32, #tpu.memory_space<vmem_shared>> -> memref<2x8192xf32, #tpu.memory_space<vmem_shared>>
      tpu.enqueue_dma source(%arg7 : memref<2x8192xf32, #tpu.memory_space<vmem>>) target(%dma_start3A_137 : memref<2x8192xf32, #tpu.memory_space<vmem_shared>>) target_semaphore(%arg16 : memref<!tpu.dma_semaphore, #tpu.memory_space<semaphore_mem>>)
      %dma_wait3A_138 = arith.constant 1 : i32
      %dma_wait3A_139 = arith.constant 0 : i32
      %dma_wait3A_140 = arith.constant 0 : i32
      %dma_wait3A_141 = tpu.memref_slice %arg10[%arg1, %dma_wait3A_138, %dma_wait3A_139, %dma_wait3A_140] : memref<16x3x2x8192xf32, #tpu.memory_space<vmem_shared>> -> memref<1x1x2x8192xf32, #tpu.memory_space<vmem_shared>>
      %dma_wait3A_142 = tpu.memref_squeeze %dma_wait3A_141 : memref<1x1x2x8192xf32, #tpu.memory_space<vmem_shared>> -> memref<2x8192xf32, #tpu.memory_space<vmem_shared>>
      %dma_wait3A_143 = arith.constant 0 : i32
      %dma_wait3A_144 = arith.constant 0 : i32
      %dma_wait3A_145 = tpu.memref_slice %arg10[%arg1, %dma_wait3A_138, %dma_wait3A_143, %dma_wait3A_144] : memref<16x3x2x8192xf32, #tpu.memory_space<vmem_shared>> -> memref<1x1x2x8192xf32, #tpu.memory_space<vmem_shared>>
      %dma_wait3A_146 = tpu.memref_squeeze %dma_wait3A_145 : memref<1x1x2x8192xf32, #tpu.memory_space<vmem_shared>> -> memref<2x8192xf32, #tpu.memory_space<vmem_shared>>
      tpu.wait_dma2 semaphore(%arg16 : memref<!tpu.dma_semaphore, #tpu.memory_space<semaphore_mem>>) src(%arg7 : memref<2x8192xf32, #tpu.memory_space<vmem>>) dst(%dma_wait3A_146 : memref<2x8192xf32, #tpu.memory_space<vmem_shared>>)
      %mul3A_147 = arith.constant 2 : i32
      %mul3A_148 = arith.muli %add3A_117, %mul3A_147 : i32
      %add3A_149 = arith.addi %mul3A_2, %mul3A_148 : i32
      %dma_start3A_150 = arith.constant 1 : i32
      %dma_start3A_151 = arith.constant 0 : i32
      %dma_start3A_152 = tpu.memref_slice %arg4[%add3A_149, %dma_start3A_151] : memref<4096x8192xf32, #tpu.memory_space<hbm>> -> memref<2x8192xf32, #tpu.memory_space<hbm>>
      %dma_start3A_153 = arith.constant 0 : i32
      %dma_start3A_154 = arith.constant 0 : i32
      %dma_start3A_155 = tpu.memref_slice %arg10[%arg1, %dma_start3A_150, %dma_start3A_153, %dma_start3A_154] : memref<16x3x2x8192xf32, #tpu.memory_space<vmem_shared>> -> memref<1x1x2x8192xf32, #tpu.memory_space<vmem_shared>>
      %dma_start3A_156 = tpu.memref_squeeze %dma_start3A_155 : memref<1x1x2x8192xf32, #tpu.memory_space<vmem_shared>> -> memref<2x8192xf32, #tpu.memory_space<vmem_shared>>
      tpu.enqueue_dma source(%dma_start3A_156 : memref<2x8192xf32, #tpu.memory_space<vmem_shared>>) target(%dma_start3A_152 : memref<2x8192xf32, #tpu.memory_space<hbm>>) target_semaphore(%arg19 : memref<!tpu.dma_semaphore, #tpu.memory_space<semaphore_mem>>)
      %add3A_157 = arith.constant 4 : i32
      %add3A_158 = arith.addi %add3A_117, %add3A_157 : i32
      %lt3A_159 = arith.constant 64 : i32
      %lt3A_160 = arith.cmpi slt, %add3A_158, %lt3A_159 : i32
      %convert_element_type3A_161 = arith.extui %lt3A_160 : i1 to i32
      %cond3A_162 = arith.constant 0 : i32
      %cond3A_163 = arith.cmpi ne, %convert_element_type3A_161, %cond3A_162 : i32
      scf.if %cond3A_163 {
        %add3A_239 = arith.constant 4 : i32
        %add3A_240 = arith.addi %add3A_117, %add3A_239 : i32
        %dma_start3A_241 = arith.constant 0 : i32
        %dma_start3A_242 = tpu.memref_slice %arg5[%add3A_240, %dma_start3A_241] : memref<64x2xi32, #tpu.memory_space<vmem>> -> memref<1x2xi32, #tpu.memory_space<vmem>>
        %dma_start3A_243 = tpu.memref_squeeze %dma_start3A_242 : memref<1x2xi32, #tpu.memory_space<vmem>> -> memref<2xi32, #tpu.memory_space<vmem>>
        %dma_start3A_244 = arith.constant 0 : i32
        %dma_start3A_245 = arith.constant 0 : i32
        %dma_start3A_246 = tpu.memref_slice %arg2[%dma_start3A_244, %dma_start3A_245] : memref<8192x8192xf32, #tpu.memory_space<hbm>> -> memref<8192x8192xf32, #tpu.memory_space<hbm>>
        tpu.enqueue_indirect_dma source(%dma_start3A_246 : memref<8192x8192xf32, #tpu.memory_space<hbm>>) target(%arg7 : memref<2x8192xf32, #tpu.memory_space<vmem>>) offsets(%dma_start3A_243 : memref<2xi32, #tpu.memory_space<vmem>>) semaphore(%arg12 : memref<!tpu.dma_semaphore, #tpu.memory_space<semaphore_mem>>)
      } else {
      }
      %mul3A_164 = arith.constant 4 : i32
      %mul3A_165 = arith.muli %mul3A_164, %scan3A_67 : i32
      %add3A_166 = arith.constant 2 : i32
      %add3A_167 = arith.addi %mul3A_165, %add3A_166 : i32
      %ge3A_168 = arith.constant 4 : i32
      %ge3A_169 = arith.cmpi sge, %add3A_167, %ge3A_168 : i32
      %convert_element_type3A_170 = arith.extui %ge3A_169 : i1 to i32
      %cond3A_171 = arith.constant 0 : i32
      %cond3A_172 = arith.cmpi ne, %convert_element_type3A_170, %cond3A_171 : i32
      scf.if %cond3A_172 {
        %sub3A_239 = arith.constant 4 : i32
        %sub3A_240 = arith.subi %add3A_167, %sub3A_239 : i32
        %mul3A_241 = arith.constant 2 : i32
        %mul3A_242 = arith.muli %sub3A_240, %mul3A_241 : i32
        %add3A_243 = arith.addi %mul3A_2, %mul3A_242 : i32
        %dma_wait3A_244 = arith.constant 2 : i32
        %dma_wait3A_245 = arith.constant 0 : i32
        %dma_wait3A_246 = tpu.memref_slice %arg4[%add3A_243, %dma_wait3A_245] : memref<4096x8192xf32, #tpu.memory_space<hbm>> -> memref<2x8192xf32, #tpu.memory_space<hbm>>
        %dma_wait3A_247 = arith.constant 0 : i32
        %dma_wait3A_248 = arith.constant 0 : i32
        %dma_wait3A_249 = tpu.memref_slice %arg10[%arg1, %dma_wait3A_244, %dma_wait3A_247, %dma_wait3A_248] : memref<16x3x2x8192xf32, #tpu.memory_space<vmem_shared>> -> memref<1x1x2x8192xf32, #tpu.memory_space<vmem_shared>>
        %dma_wait3A_250 = tpu.memref_squeeze %dma_wait3A_249 : memref<1x1x2x8192xf32, #tpu.memory_space<vmem_shared>> -> memref<2x8192xf32, #tpu.memory_space<vmem_shared>>
        tpu.wait_dma2 semaphore(%arg20 : memref<!tpu.dma_semaphore, #tpu.memory_space<semaphore_mem>>) src(%dma_wait3A_250 : memref<2x8192xf32, #tpu.memory_space<vmem_shared>>) dst(%dma_wait3A_246 : memref<2x8192xf32, #tpu.memory_space<hbm>>)
      } else {
      }
      %dma_wait3A_173 = arith.constant 0 : i32
      %dma_wait3A_174 = tpu.memref_slice %arg5[%add3A_167, %dma_wait3A_173] : memref<64x2xi32, #tpu.memory_space<vmem>> -> memref<1x2xi32, #tpu.memory_space<vmem>>
      %dma_wait3A_175 = tpu.memref_squeeze %dma_wait3A_174 : memref<1x2xi32, #tpu.memory_space<vmem>> -> memref<2xi32, #tpu.memory_space<vmem>>
      %dma_wait3A_176 = arith.constant 0 : i32
      %dma_wait3A_177 = arith.constant 0 : i32
      %dma_wait3A_178 = tpu.memref_slice %arg2[%dma_wait3A_176, %dma_wait3A_177] : memref<8192x8192xf32, #tpu.memory_space<hbm>> -> memref<8192x8192xf32, #tpu.memory_space<hbm>>
      tpu.wait_indirect_dma semaphore(%arg13 : memref<!tpu.dma_semaphore, #tpu.memory_space<semaphore_mem>>) src(%dma_wait3A_178 : memref<8192x8192xf32, #tpu.memory_space<hbm>>) dst(%arg8 : memref<2x8192xf32, #tpu.memory_space<vmem>>)
      %dma_start3A_179 = arith.constant 2 : i32
      %dma_start3A_180 = arith.constant 0 : i32
      %dma_start3A_181 = arith.constant 0 : i32
      %dma_start3A_182 = tpu.memref_slice %arg10[%arg1, %dma_start3A_179, %dma_start3A_180, %dma_start3A_181] : memref<16x3x2x8192xf32, #tpu.memory_space<vmem_shared>> -> memref<1x1x2x8192xf32, #tpu.memory_space<vmem_shared>>
      %dma_start3A_183 = tpu.memref_squeeze %dma_start3A_182 : memref<1x1x2x8192xf32, #tpu.memory_space<vmem_shared>> -> memref<2x8192xf32, #tpu.memory_space<vmem_shared>>
      %dma_start3A_184 = arith.constant 0 : i32
      %dma_start3A_185 = arith.constant 0 : i32
      %dma_start3A_186 = tpu.memref_slice %arg10[%arg1, %dma_start3A_179, %dma_start3A_184, %dma_start3A_185] : memref<16x3x2x8192xf32, #tpu.memory_space<vmem_shared>> -> memref<1x1x2x8192xf32, #tpu.memory_space<vmem_shared>>
      %dma_start3A_187 = tpu.memref_squeeze %dma_start3A_186 : memref<1x1x2x8192xf32, #tpu.memory_space<vmem_shared>> -> memref<2x8192xf32, #tpu.memory_space<vmem_shared>>
      tpu.enqueue_dma source(%arg8 : memref<2x8192xf32, #tpu.memory_space<vmem>>) target(%dma_start3A_187 : memref<2x8192xf32, #tpu.memory_space<vmem_shared>>) target_semaphore(%arg17 : memref<!tpu.dma_semaphore, #tpu.memory_space<semaphore_mem>>)
      %dma_wait3A_188 = arith.constant 2 : i32
      %dma_wait3A_189 = arith.constant 0 : i32
      %dma_wait3A_190 = arith.constant 0 : i32
      %dma_wait3A_191 = tpu.memref_slice %arg10[%arg1, %dma_wait3A_188, %dma_wait3A_189, %dma_wait3A_190] : memref<16x3x2x8192xf32, #tpu.memory_space<vmem_shared>> -> memref<1x1x2x8192xf32, #tpu.memory_space<vmem_shared>>
      %dma_wait3A_192 = tpu.memref_squeeze %dma_wait3A_191 : memref<1x1x2x8192xf32, #tpu.memory_space<vmem_shared>> -> memref<2x8192xf32, #tpu.memory_space<vmem_shared>>
      %dma_wait3A_193 = arith.constant 0 : i32
      %dma_wait3A_194 = arith.constant 0 : i32
      %dma_wait3A_195 = tpu.memref_slice %arg10[%arg1, %dma_wait3A_188, %dma_wait3A_193, %dma_wait3A_194] : memref<16x3x2x8192xf32, #tpu.memory_space<vmem_shared>> -> memref<1x1x2x8192xf32, #tpu.memory_space<vmem_shared>>
      %dma_wait3A_196 = tpu.memref_squeeze %dma_wait3A_195 : memref<1x1x2x8192xf32, #tpu.memory_space<vmem_shared>> -> memref<2x8192xf32, #tpu.memory_space<vmem_shared>>
      tpu.wait_dma2 semaphore(%arg17 : memref<!tpu.dma_semaphore, #tpu.memory_space<semaphore_mem>>) src(%arg8 : memref<2x8192xf32, #tpu.memory_space<vmem>>) dst(%dma_wait3A_196 : memref<2x8192xf32, #tpu.memory_space<vmem_shared>>)
      %mul3A_197 = arith.constant 2 : i32
      %mul3A_198 = arith.muli %add3A_167, %mul3A_197 : i32
      %add3A_199 = arith.addi %mul3A_2, %mul3A_198 : i32
      %dma_start3A_200 = arith.constant 2 : i32
      %dma_start3A_201 = arith.constant 0 : i32
      %dma_start3A_202 = tpu.memref_slice %arg4[%add3A_199, %dma_start3A_201] : memref<4096x8192xf32, #tpu.memory_space<hbm>> -> memref<2x8192xf32, #tpu.memory_space<hbm>>
      %dma_start3A_203 = arith.constant 0 : i32
      %dma_start3A_204 = arith.constant 0 : i32
      %dma_start3A_205 = tpu.memref_slice %arg10[%arg1, %dma_start3A_200, %dma_start3A_203, %dma_start3A_204] : memref<16x3x2x8192xf32, #tpu.memory_space<vmem_shared>> -> memref<1x1x2x8192xf32, #tpu.memory_space<vmem_shared>>
      %dma_start3A_206 = tpu.memref_squeeze %dma_start3A_205 : memref<1x1x2x8192xf32, #tpu.memory_space<vmem_shared>> -> memref<2x8192xf32, #tpu.memory_space<vmem_shared>>
      tpu.enqueue_dma source(%dma_start3A_206 : memref<2x8192xf32, #tpu.memory_space<vmem_shared>>) target(%dma_start3A_202 : memref<2x8192xf32, #tpu.memory_space<hbm>>) target_semaphore(%arg20 : memref<!tpu.dma_semaphore, #tpu.memory_space<semaphore_mem>>)
      %add3A_207 = arith.constant 4 : i32
      %add3A_208 = arith.addi %add3A_167, %add3A_207 : i32
      %lt3A_209 = arith.constant 64 : i32
      %lt3A_210 = arith.cmpi slt, %add3A_208, %lt3A_209 : i32
      %convert_element_type3A_211 = arith.extui %lt3A_210 : i1 to i32
      %cond3A_212 = arith.constant 0 : i32
      %cond3A_213 = arith.cmpi ne, %convert_element_type3A_211, %cond3A_212 : i32
      scf.if %cond3A_213 {
        %add3A_239 = arith.constant 4 : i32
        %add3A_240 = arith.addi %add3A_167, %add3A_239 : i32
        %dma_start3A_241 = arith.constant 0 : i32
        %dma_start3A_242 = tpu.memref_slice %arg5[%add3A_240, %dma_start3A_241] : memref<64x2xi32, #tpu.memory_space<vmem>> -> memref<1x2xi32, #tpu.memory_space<vmem>>
        %dma_start3A_243 = tpu.memref_squeeze %dma_start3A_242 : memref<1x2xi32, #tpu.memory_space<vmem>> -> memref<2xi32, #tpu.memory_space<vmem>>
        %dma_start3A_244 = arith.constant 0 : i32
        %dma_start3A_245 = arith.constant 0 : i32
        %dma_start3A_246 = tpu.memref_slice %arg2[%dma_start3A_244, %dma_start3A_245] : memref<8192x8192xf32, #tpu.memory_space<hbm>> -> memref<8192x8192xf32, #tpu.memory_space<hbm>>
        tpu.enqueue_indirect_dma source(%dma_start3A_246 : memref<8192x8192xf32, #tpu.memory_space<hbm>>) target(%arg8 : memref<2x8192xf32, #tpu.memory_space<vmem>>) offsets(%dma_start3A_243 : memref<2xi32, #tpu.memory_space<vmem>>) semaphore(%arg13 : memref<!tpu.dma_semaphore, #tpu.memory_space<semaphore_mem>>)
      } else {
      }
      %mul3A_214 = arith.constant 4 : i32
      %mul3A_215 = arith.muli %mul3A_214, %scan3A_67 : i32
      %add3A_216 = arith.constant 4 : i32
      %add3A_217 = arith.addi %mul3A_215, %add3A_216 : i32
      %sub3A = arith.constant 1 : i32
      %sub3A_218 = arith.subi %add3A_217, %sub3A : i32
      %dma_wait3A_219 = arith.constant 0 : i32
      %dma_wait3A_220 = tpu.memref_slice %arg5[%sub3A_218, %dma_wait3A_219] : memref<64x2xi32, #tpu.memory_space<vmem>> -> memref<1x2xi32, #tpu.memory_space<vmem>>
      %dma_wait3A_221 = tpu.memref_squeeze %dma_wait3A_220 : memref<1x2xi32, #tpu.memory_space<vmem>> -> memref<2xi32, #tpu.memory_space<vmem>>
      %dma_wait3A_222 = arith.constant 0 : i32
      %dma_wait3A_223 = arith.constant 0 : i32
      %dma_wait3A_224 = tpu.memref_slice %arg2[%dma_wait3A_222, %dma_wait3A_223] : memref<8192x8192xf32, #tpu.memory_space<hbm>> -> memref<8192x8192xf32, #tpu.memory_space<hbm>>
      tpu.wait_indirect_dma semaphore(%arg14 : memref<!tpu.dma_semaphore, #tpu.memory_space<semaphore_mem>>) src(%dma_wait3A_224 : memref<8192x8192xf32, #tpu.memory_space<hbm>>) dst(%arg9 : memref<2x8192xf32, #tpu.memory_space<vmem>>)
      %mul3A_225 = arith.constant 2 : i32
      %mul3A_226 = arith.muli %sub3A_218, %mul3A_225 : i32
      %add3A_227 = arith.addi %mul3A_2, %mul3A_226 : i32
      %dma_start3A_228 = arith.constant 0 : i32
      %dma_start3A_229 = tpu.memref_slice %arg4[%add3A_227, %dma_start3A_228] : memref<4096x8192xf32, #tpu.memory_space<hbm>> -> memref<2x8192xf32, #tpu.memory_space<hbm>>
      %dma_start3A_230 = arith.constant 0 : i32
      %dma_start3A_231 = tpu.memref_slice %arg4[%add3A_227, %dma_start3A_230] : memref<4096x8192xf32, #tpu.memory_space<hbm>> -> memref<2x8192xf32, #tpu.memory_space<hbm>>
      tpu.enqueue_dma source(%arg9 : memref<2x8192xf32, #tpu.memory_space<vmem>>) target(%dma_start3A_231 : memref<2x8192xf32, #tpu.memory_space<hbm>>) target_semaphore(%arg21 : memref<!tpu.dma_semaphore, #tpu.memory_space<semaphore_mem>>)
      %add3A_232 = arith.constant 4 : i32
      %add3A_233 = arith.addi %sub3A_218, %add3A_232 : i32
      %lt3A_234 = arith.constant 64 : i32
      %lt3A_235 = arith.cmpi slt, %add3A_233, %lt3A_234 : i32
      %convert_element_type3A_236 = arith.extui %lt3A_235 : i1 to i32
      %cond3A_237 = arith.constant 0 : i32
      %cond3A_238 = arith.cmpi ne, %convert_element_type3A_236, %cond3A_237 : i32
      scf.if %cond3A_238 {
        %mul3A_239 = arith.constant 2 : i32
        %mul3A_240 = arith.muli %sub3A_218, %mul3A_239 : i32
        %add3A_241 = arith.addi %mul3A_2, %mul3A_240 : i32
        %dma_wait3A_242 = arith.constant 0 : i32
        %dma_wait3A_243 = tpu.memref_slice %arg4[%add3A_241, %dma_wait3A_242] : memref<4096x8192xf32, #tpu.memory_space<hbm>> -> memref<2x8192xf32, #tpu.memory_space<hbm>>
        %dma_wait3A_244 = arith.constant 0 : i32
        %dma_wait3A_245 = tpu.memref_slice %arg4[%add3A_241, %dma_wait3A_244] : memref<4096x8192xf32, #tpu.memory_space<hbm>> -> memref<2x8192xf32, #tpu.memory_space<hbm>>
        tpu.wait_dma2 semaphore(%arg21 : memref<!tpu.dma_semaphore, #tpu.memory_space<semaphore_mem>>) src(%arg9 : memref<2x8192xf32, #tpu.memory_space<vmem>>) dst(%dma_wait3A_245 : memref<2x8192xf32, #tpu.memory_space<hbm>>)
        %add3A_246 = arith.constant 4 : i32
        %add3A_247 = arith.addi %sub3A_218, %add3A_246 : i32
        %dma_start3A_248 = arith.constant 0 : i32
        %dma_start3A_249 = tpu.memref_slice %arg5[%add3A_247, %dma_start3A_248] : memref<64x2xi32, #tpu.memory_space<vmem>> -> memref<1x2xi32, #tpu.memory_space<vmem>>
        %dma_start3A_250 = tpu.memref_squeeze %dma_start3A_249 : memref<1x2xi32, #tpu.memory_space<vmem>> -> memref<2xi32, #tpu.memory_space<vmem>>
        %dma_start3A_251 = arith.constant 0 : i32
        %dma_start3A_252 = arith.constant 0 : i32
        %dma_start3A_253 = tpu.memref_slice %arg2[%dma_start3A_251, %dma_start3A_252] : memref<8192x8192xf32, #tpu.memory_space<hbm>> -> memref<8192x8192xf32, #tpu.memory_space<hbm>>
        tpu.enqueue_indirect_dma source(%dma_start3A_253 : memref<8192x8192xf32, #tpu.memory_space<hbm>>) target(%arg9 : memref<2x8192xf32, #tpu.memory_space<vmem>>) offsets(%dma_start3A_250 : memref<2xi32, #tpu.memory_space<vmem>>) semaphore(%arg14 : memref<!tpu.dma_semaphore, #tpu.memory_space<semaphore_mem>>)
      } else {
      }
    }
    %scan3A_34 = arith.constant 16 : i32
    %add3A_35 = arith.constant 120 : i32
    %add3A_36 = arith.addi %mul3A_2, %add3A_35 : i32
    %dma_wait3A = arith.constant 0 : i32
    %dma_wait3A_37 = arith.constant 0 : i32
    %dma_wait3A_38 = tpu.memref_slice %arg4[%add3A_36, %dma_wait3A_37] : memref<4096x8192xf32, #tpu.memory_space<hbm>> -> memref<2x8192xf32, #tpu.memory_space<hbm>>
    %dma_wait3A_39 = arith.constant 0 : i32
    %dma_wait3A_40 = arith.constant 0 : i32
    %dma_wait3A_41 = tpu.memref_slice %arg10[%arg1, %dma_wait3A, %dma_wait3A_39, %dma_wait3A_40] : memref<16x3x2x8192xf32, #tpu.memory_space<vmem_shared>> -> memref<1x1x2x8192xf32, #tpu.memory_space<vmem_shared>>
    %dma_wait3A_42 = tpu.memref_squeeze %dma_wait3A_41 : memref<1x1x2x8192xf32, #tpu.memory_space<vmem_shared>> -> memref<2x8192xf32, #tpu.memory_space<vmem_shared>>
    tpu.wait_dma2 semaphore(%arg18 : memref<!tpu.dma_semaphore, #tpu.memory_space<semaphore_mem>>) src(%dma_wait3A_42 : memref<2x8192xf32, #tpu.memory_space<vmem_shared>>) dst(%dma_wait3A_38 : memref<2x8192xf32, #tpu.memory_space<hbm>>)
    %add3A_43 = arith.constant 122 : i32
    %add3A_44 = arith.addi %mul3A_2, %add3A_43 : i32
    %dma_wait3A_45 = arith.constant 1 : i32
    %dma_wait3A_46 = arith.constant 0 : i32
    %dma_wait3A_47 = tpu.memref_slice %arg4[%add3A_44, %dma_wait3A_46] : memref<4096x8192xf32, #tpu.memory_space<hbm>> -> memref<2x8192xf32, #tpu.memory_space<hbm>>
    %dma_wait3A_48 = arith.constant 0 : i32
    %dma_wait3A_49 = arith.constant 0 : i32
    %dma_wait3A_50 = tpu.memref_slice %arg10[%arg1, %dma_wait3A_45, %dma_wait3A_48, %dma_wait3A_49] : memref<16x3x2x8192xf32, #tpu.memory_space<vmem_shared>> -> memref<1x1x2x8192xf32, #tpu.memory_space<vmem_shared>>
    %dma_wait3A_51 = tpu.memref_squeeze %dma_wait3A_50 : memref<1x1x2x8192xf32, #tpu.memory_space<vmem_shared>> -> memref<2x8192xf32, #tpu.memory_space<vmem_shared>>
    tpu.wait_dma2 semaphore(%arg19 : memref<!tpu.dma_semaphore, #tpu.memory_space<semaphore_mem>>) src(%dma_wait3A_51 : memref<2x8192xf32, #tpu.memory_space<vmem_shared>>) dst(%dma_wait3A_47 : memref<2x8192xf32, #tpu.memory_space<hbm>>)
    %add3A_52 = arith.constant 124 : i32
    %add3A_53 = arith.addi %mul3A_2, %add3A_52 : i32
    %dma_wait3A_54 = arith.constant 2 : i32
    %dma_wait3A_55 = arith.constant 0 : i32
    %dma_wait3A_56 = tpu.memref_slice %arg4[%add3A_53, %dma_wait3A_55] : memref<4096x8192xf32, #tpu.memory_space<hbm>> -> memref<2x8192xf32, #tpu.memory_space<hbm>>
    %dma_wait3A_57 = arith.constant 0 : i32
    %dma_wait3A_58 = arith.constant 0 : i32
    %dma_wait3A_59 = tpu.memref_slice %arg10[%arg1, %dma_wait3A_54, %dma_wait3A_57, %dma_wait3A_58] : memref<16x3x2x8192xf32, #tpu.memory_space<vmem_shared>> -> memref<1x1x2x8192xf32, #tpu.memory_space<vmem_shared>>
    %dma_wait3A_60 = tpu.memref_squeeze %dma_wait3A_59 : memref<1x1x2x8192xf32, #tpu.memory_space<vmem_shared>> -> memref<2x8192xf32, #tpu.memory_space<vmem_shared>>
    tpu.wait_dma2 semaphore(%arg20 : memref<!tpu.dma_semaphore, #tpu.memory_space<semaphore_mem>>) src(%dma_wait3A_60 : memref<2x8192xf32, #tpu.memory_space<vmem_shared>>) dst(%dma_wait3A_56 : memref<2x8192xf32, #tpu.memory_space<hbm>>)
    %add3A_61 = arith.constant 126 : i32
    %add3A_62 = arith.addi %mul3A_2, %add3A_61 : i32
    %dma_wait3A_63 = arith.constant 0 : i32
    %dma_wait3A_64 = tpu.memref_slice %arg4[%add3A_62, %dma_wait3A_63] : memref<4096x8192xf32, #tpu.memory_space<hbm>> -> memref<2x8192xf32, #tpu.memory_space<hbm>>
    %dma_wait3A_65 = arith.constant 0 : i32
    %dma_wait3A_66 = tpu.memref_slice %arg4[%add3A_62, %dma_wait3A_65] : memref<4096x8192xf32, #tpu.memory_space<hbm>> -> memref<2x8192xf32, #tpu.memory_space<hbm>>
    tpu.wait_dma2 semaphore(%arg21 : memref<!tpu.dma_semaphore, #tpu.memory_space<semaphore_mem>>) src(%arg9 : memref<2x8192xf32, #tpu.memory_space<vmem>>) dst(%dma_wait3A_66 : memref<2x8192xf32, #tpu.memory_space<hbm>>)
    return
  }
}

</mosaic_0001>

<sc_bundles>
// kernel: kernel.3.cloned.1.call-start
scs
__scs_entry_jumppad:
0x0: {  	(pc) =	sbr.rel $0x88, $3  }
0x1: {  	(tag) =	ssettag $0x0;
	lr =	simm.s32 $0x1  }
0x2: {  	[smem:$0x3F9F] =	sst lr;
	_ =	strace $0xD0000000  }
0x3: {  	_ = 	snop  }
0x4: {  	_ = 	snop  }
0x5: {  	_ = 	snop  }
0x6: {  	_ = 	snop  }
0x7: {  	_ = 	snop  }
__scs_overlays_trampoline_lowered:
0x8: {  	[smem:$0x3FAE] =	sst s0  }
0x9: {  	[smem:$0x3FAF] =	sst s1  }
0xa: {  	[smem:$0x3FB0] =	sst s2  }
0xb: {  	[smem:$0x3FB1] =	sst s3  }
0xc: {  	[smem:$0x3FB2] =	sst s4  }
0xd: {  	[smem:$0x3FB3] =	sst s5  }
0xe: {  	[smem:$0x3FB4] =	sst s6  }
0xf: {  	[smem:$0x3FB5] =	sst s7  }
0x10: {  	[smem:$0x3FB6] =	sst s8  }
0x11: {  	[smem:$0x3FB7] =	sst s9;
	s0 =	simm.s32 @!p0 $0x0  }
0x12: {  	s1 =	sld [smem:$0x3F9D];
	s0 =	simm.s32 @p0 $0x1  }
0x13: {  	[smem:$0x3FB8] =	sst s0;
	s0 =	simm.s32 @!p1 $0x0  }
0x14: {  	s2 =	sld [smem:$0x3F9C];
	s0 =	simm.s32 @p1 $0x1  }
0x15: {  	[smem:$0x3FB9] =	sst s0;
	s0 =	simm.s32 @!p2 $0x0  }
0x16: {  	s3 =	sld [smem:$0x3FDB];
	s0 =	simm.s32 @p2 $0x1  }
0x17: {  	s4 =	simm.s32 $0x1BF5;
	[smem:$0x3FBB] =	sst s0  }
0x18: {  	s0 =	sld [smem:$0x3F9E];
	_ =	swait.ge [sflag:s4], $0x0  }
0x19: {  	s7 =	sld [smem:$0x3F9F]  }
0x1a: {  	s8 =	sadd.s32 $0xFFFFE003, lr  }
0x1b: {  	s9 =	sadd.s32 $0xFFFFFEF7, lr;
	s5 =	simm.s32 $0xFFFFFFFF;
	p2 =	slt.u32 s8, $0xFFFFF086  }
0x1c: {  	p1 =	slt.u32 s9, $0xF7A;
	s5 =	simm.s32 @!p2 $0x0  }
0x1d: {  	s5 =	simm.s32 @p1 $0x1;
	p0 =	seq.s32 s7, s2  }
0x1e: {  	s7 =	smul.u32 @!p0 $0xF7A, s2;
	p2 =	seq.s32 @!p0 s5, $0x0  }
0x1f: {  	s9 =	smul.u32 $0xF7A, s1;
	s8 =	simm.s32 @!p0 $0x1BF5;
	p2 =	por !p2, p0  }
0x20: {  	[sflag:s8] =	ssyncset.s32 @!p0 $0xFFFFF086;
	s6 =	sadd.s32 @!p0 s3, s7;
	s7 =	simm.s32 @!p0 $0x108  }
0x21: {  	s3 =	sadd.s32 s3, s9;
	s6 =	sadd.s32 @!p0 $0x88, s6;
	s7 =	simm.s32 @p2 $0x1082  }
0x22: {  	[simem:s7], [sflag:s8] =	dma.local @!p0 [hbm:s6], $0xF7A  }
0x23: {  	s9 =	sor.u32 $0xD0000000, s2;
	s6 =	simm.s32 $0x108;
	_ =	swait.ge @!p0 [sflag:s8], $0x0  }
0x24: {  	s3 =	sadd.s32 $0x88, s3;
	s6 =	simm.s32 @!p1 $0x1082;
	[sflag:s4] =	ssyncset.s32 $0xFFFFF086  }
0x25: {  	[simem:s6], [sflag:s4] =	dma.local [hbm:s3], $0xF7A  }
0x26: {  	[smem:$0x3F9F] =	sst s1;
	(tag) =	ssettag s2;
	_ =	strace s9  }
0x27: {  	s1 =	sld [smem:$0x3FAF]  }
0x28: {  	s2 =	sld [smem:$0x3FB0]  }
0x29: {  	s4 =	sld [smem:$0x3FB2]  }
0x2a: {  	p0 =	seq.s32 s5, $0x0;
	s5 =	sld [smem:$0x3FB3]  }
0x2b: {  	s6 =	sld [smem:$0x3FB4]  }
0x2c: {  	s7 =	sld [smem:$0x3FB5]  }
0x2d: {  	s3 =	simm.s32 $0x108;
	s8 =	sld [smem:$0x3FB6]  }
0x2e: {  	s3 =	simm.s32 @!p0 $0x1082;
	s9 =	sld [smem:$0x3FB7]  }
0x2f: {  	lr =	sadd.s32 s0, s3;
	s0 =	sld [smem:$0x3FAE]  }
0x30: {  	s3 =	sld [smem:$0x3FB1]  }
0x31: {  	[smem:$0x3FBA] =	sst s10  }
0x32: {  	s10 =	sld [smem:$0x3FB8];
	_ =	sdelay $0x3  }
0x33: {  	p0 =	seq.s32 s10, $0x1;
	s10 =	sld [smem:$0x3FBA];
	_ =	sdelay $0x3  }
0x34: {  	[smem:$0x3FBA] =	sst s10  }
0x35: {  	s10 =	sld [smem:$0x3FB9];
	_ =	sdelay $0x3  }
0x36: {  	p1 =	seq.s32 s10, $0x1;
	s10 =	sld [smem:$0x3FBA];
	_ =	sdelay $0x3  }
0x37: {  	[smem:$0x3FBA] =	sst s10  }
0x38: {  	s10 =	sld [smem:$0x3FBB]  }
0x39: {  	_ = 	snop;
	(pc) =	sbr.ind lr, $3  }
0x3a: {  	_ = 	snop  }
0x3b: {  	_ = 	snop  }
0x3c: {  	p2 =	seq.s32 s10, $0x1;
	s10 =	sld [smem:$0x3FBA]  }
0x3d: {  	_ =	shalt  }
0x3e: {  	_ =	shalt  }
0x3f: {  	_ =	shalt  }
0x40: {  	_ =	shalt  }
0x41: {  	_ =	shalt  }
0x42: {  	_ =	shalt  }
0x43: {  	_ =	shalt  }
0x44: {  	_ =	shalt  }
0x45: {  	_ =	shalt  }
0x46: {  	_ =	shalt  }
0x47: {  	_ =	shalt  }
0x48: {  	_ =	shalt  }
0x49: {  	_ =	shalt  }
0x4a: {  	_ =	shalt  }
0x4b: {  	_ =	shalt  }
0x4c: {  	_ =	shalt  }
0x4d: {  	_ =	shalt  }
0x4e: {  	_ =	shalt  }
0x4f: {  	_ =	shalt  }
0x50: {  	_ =	shalt  }
0x51: {  	_ =	shalt  }
0x52: {  	_ =	shalt  }
0x53: {  	_ =	shalt  }
0x54: {  	_ =	shalt  }
0x55: {  	_ =	shalt  }
0x56: {  	_ =	shalt  }
0x57: {  	_ =	shalt  }
0x58: {  	_ =	shalt  }
0x59: {  	_ =	shalt  }
0x5a: {  	_ =	shalt  }
0x5b: {  	_ =	shalt  }
0x5c: {  	_ =	shalt  }
0x5d: {  	_ =	shalt  }
0x5e: {  	_ =	shalt  }
0x5f: {  	_ =	shalt  }
0x60: {  	_ =	shalt  }
0x61: {  	_ =	shalt  }
0x62: {  	_ =	shalt  }
0x63: {  	_ =	shalt  }
0x64: {  	_ =	shalt  }
0x65: {  	_ =	shalt  }
0x66: {  	_ =	shalt  }
0x67: {  	_ =	shalt  }
0x68: {  	_ =	shalt  }
0x69: {  	_ =	shalt  }
0x6a: {  	_ =	shalt  }
0x6b: {  	_ =	shalt  }
0x6c: {  	_ =	shalt  }
0x6d: {  	_ =	shalt  }
0x6e: {  	_ =	shalt  }
0x6f: {  	_ =	shalt  }
0x70: {  	_ =	shalt  }
0x71: {  	_ =	shalt  }
0x72: {  	_ =	shalt  }
0x73: {  	_ =	shalt  }
0x74: {  	_ =	shalt  }
0x75: {  	_ =	shalt  }
0x76: {  	_ =	shalt  }
0x77: {  	_ =	shalt  }
0x78: {  	_ =	shalt  }
0x79: {  	_ =	shalt  }
0x7a: {  	_ =	shalt  }
0x7b: {  	_ =	shalt  }
0x7c: {  	_ =	shalt  }
0x7d: {  	_ =	shalt  }
0x7e: {  	_ =	shalt  }
0x7f: {  	_ =	shalt  }
0x80: {  	_ =	shalt  }
0x81: {  	_ =	shalt  }
0x82: {  	_ =	shalt  }
0x83: {  	_ =	shalt  }
0x84: {  	_ =	shalt  }
0x85: {  	_ =	shalt  }
0x86: {  	_ =	shalt  }
0x87: {  	_ =	shalt  }
.Lfunc_end0:
.L_simem_size_0:
called_computation_lowered:
.L_overlay_start_0:
0x88: {  	s2 =	sld [smem:$0x3FD9]  }
0x89: {  	s3 =	sld [smem:$0x3FFE];
	_ =	sdelay $0x1  }
0x8a: {  	s1 =	srdreg.scid  }
0x8b: {  	s0 =	sand.u32 $0x1, s1  }
0x8c: {  	s17 =	sshll.u32 s0, $0xA;
	s2 =	sadd.s32 s3, s2  }
0x8d: {  	s2 =	sadd.s32 s2, s17  }
0x8e: {  	[smem:$0x3FC6] =	sst s2  }
0x8f: {  	_ = 	snop  }
0x90: {  	s2 =	sld [smem:$0x3FC8]  }
0x91: {  	s18 =	sld [smem:$0x3FD0];
	(tm) =	ssettm $0x1  }
0x92: {  	s4 =	sld [smem:$0x3FFB];
	_ =	sdelay $0x3  }
0x93: {  	_ =	strace s4  }
0x94: {  	s4 =	sld [smem:$0x3FFC];
	_ =	sdelay $0x3  }
0x95: {  	_ =	strace s4  }
0x96: {  	s4 =	sld [smem:$0x3FFD];
	_ =	sdelay $0x3  }
0x97: {  	_ =	strace s4  }
0x98: {  	_ =	strace $0x8FFFFFFF  }
0x99: {  	s19 =	sld [smem:$0x3FDB];
	_ =	sdelay $0x1  }
0x9a: {  	s5 =	simm.s32 $_scs_section_size  }
0x9b: {  	s6 =	simm.s32 $_size__tile_overlayer_lowered;
	s7 =	simm.s32 $_tile_overlayer_lowered  }
0x9c: {  	s22 =	simm.s32 $0x1BFF;
	s21 =	sshll.u32 s7, $0x1;
	s4 =	sadd.s32 s5, s19  }
0x9d: {  	s8 =	simm.s32 $0x0;
	s20 =	sshll.u32 s6, $0x1;
	s6 =	sadd.s32 s21, s4  }
0x9e: {  	[timem:s8], [sflag:s22] =	dma.local [hbm:s6], s20  }
0x9f: {  	_ =	swait.ge [sflag:s22], s20  }
0xa0: {  	s5 =	ssub.s32 $0x0, s20;
	[sflag:s22] =	ssyncset.done $0x0  }
0xa1: {  	[sflag:s22] =	ssyncadd.s32 s5;
	_ =	sdelay $0x1  }
0xa2: {  	s23 =	simm.s32 $0x1B8B  }
0xa3: {  	_ =	swait.ge [sflag:s23], $0x1  }
0xa4: {  	[sflag:s23] =	ssyncset.done $0x0  }
0xa5: {  	s25 =	simm.s32 $0x1B8E;
	s24 =	sld [smem:$0x3FFE];
	[sflag:s23] =	ssyncadd.s32 $0xFFFFFFFF  }
0xa6: {  	s26 =	simm.s32 $execute0_lowered;
	[smem:$0x3FD2] =	sst s25  }
0xa7: {  	s6 =	sshll.u32 s26, $0x1;
	_ =	strace $0x80000046;
	[dreg:$0x1] =	wrdreg $0xFFFFFFFF  }
0xa8: {  	s28 =	simm.s32 $_size_execute0_lowered;
	s4 =	sadd.s32 s4, s6;
	[dreg:$0x0] =	wrdreg $0x0  }
0xa9: {  	s6 =	sshll.u32 s28, $0x1;
	[dreg:$0x2] =	wrdreg s4  }
0xaa: {  	[dreg:$0x3] =	wrdreg s6  }
0xab: {  	[dreg:$0x4] =	wrdreg $0xC0  }
0xac: {  	_ =	task [dreg:s8], $0x5FFFF  }
0xad: {  	[dreg:$0x1] =	wrdreg $0xFFFFFFFF  }
0xae: {  	[dreg:$0x0] =	wrdreg $0x60  }
0xaf: {  	[dreg:$0x2] =	wrdreg s2  }
0xb0: {  	[dreg:$0x3] =	wrdreg s24  }
0xb1: {  	[dreg:$0x4] =	wrdreg s18  }
0xb2: {  	[dreg:$0x5] =	wrdreg $0x120000  }
0xb3: {  	[dreg:$0x6] =	wrdreg $0x9  }
0xb4: {  	_ =	task.clear_ibuf [dreg:s8], $0x7FFFF;
	_ =	strace $0x90000046  }
0xb5: {  	s29 =	simm.s32 $0x9;
	_ =	strace $0x80000048  }
0xb6: {  	_ =	swait.ge [sflag:s29], $0x1  }
0xb7: {  	[sflag:s29] =	ssyncadd.s32 $0xFFFFFFFF  }
0xb8: {  	_ =	strace $0x90000048  }
0xb9: {  	_ =	sfence  }
0xba: {  	s30 =	sld [smem:$0x0];
	_ =	sdelay $0x2  }
0xbb: {  	s31 =	sshll.u32 s1, $0xD;
	s1 =	sshrl.u32 s1, $0x2  }
0xbc: {  	s3 =	sand.u32 $0x4000, s31;
	s1 =	sadd.s32 s1, s30  }
0xbd: {  	s0 =	sor.u32 s3, s0;
	s1 =	sshll.u32 s1, $0x11  }
0xbe: {  	s0 =	sor.u32 s1, s0  }
0xbf: {  	s0 =	sadd.s32 $0x8F2B, s0  }
0xc0: {  	[sflag:s0] =	ssyncadd.remote.s32 $0x1  }
0xc1: {  	_ =	sfence.sel $0xFFFF  }
0xc2: {  	[dreg:$0x0] =	wrdreg $0xFFFFFFFF;
	(pc) =	sbr.abs _section_cstart, $3  }
0xc3: {  	[dreg:$0x1] =	wrdreg $0xFFFFFFFF  }
0xc4: {  	_ =	task.clear_ibuf [dreg:s8], $0x2FFFF;
	_ =	strace $0x9FFFFFFF  }
0xc5: {  	(tm) =	ssettm $0x7FFFFFFF  }
tec
execute0_lowered:
.L_overlay_start_1:
0x0: {  	(tag) =	ssettag $0x1  }
0x1: {  	s1 =	rddreg [dreg:$0x0]  }
0x2: {  	s0 =	rddreg [dreg:$0x1]  }
0x3: {  	s3 =	rddreg [dreg:$0x2]  }
0x4: {  	s4 =	rddreg [dreg:$0x3]  }
0x5: {  	s2 =	simm.s32 $0x0;
	s5 =	srdreg.scid;
	s14 =	stileid.u32  }
0x6: {  	s21 =	simm.s32 $0xA000;
	s18 =	simm.s32 $0x1;
	s22 =	simm.s32 $0x5  }
0x7: {  	s28 =	simm.s32 $0x3;
	s29 =	simm.s32 $0x7;
	s30 =	simm.s32 $0x4  }
0x8: {  	[smem:$0x7FF] =	sst s2;
	s15 =	sand.u32 $0x1, s5;
	s7 =	sshll.u32 s14, $0xB  }
0x9: {  	s9 =	smul.u32 $0x30000, s14;
	s10 =	sadd.s32 $0x1800, s1;
	s12 =	sadd.s32 $0x1C00, s1  }
0xa: {  	s25 =	sshll.u32 s14, $0x12;
	_ =	strace $0x80000047;
	s5 =	ssub.s32 $0x2, s15  }
0xb: {  	s8 =	sshll.u32 s15, $0xA;
	s26 =	sshll.u32 s15, $0x11;
	s15 =	simm.s32 $0xB  }
0xc: {  	s6 =	sshrl.u32 s5, $0x1;
	s23 =	sor.u32 s8, s7;
	s7 =	sadd.s32 $0xC00, s1  }
0xd: {  	s8 =	sadd.s32 $0x1000, s1;
	s24 =	sshrl.u32 s9, $0x2;
	s9 =	sadd.s32 $0x1400, s1  }
0xe: {  	s16 =	ssub.s32 s5, s6;
	s0 =	sadd.s32 s0, s23;
	s5 =	sadd.s32 $0x400, s1  }
0xf: {  	s6 =	sadd.s32 $0x800, s1;
	s11 =	sadd.s32 s24, s4;
	s23 =	simm.s32 $0x80  }
.Ltmp0:
0x10: {  	s24 =	simm.s32 $0x20;
	s4 =	simm.s32 $0xA;
	(pc) =	sbr.rel .LBB2_1-.Ltmp0, $4  }
0x11: {  	[dreg:$0x5] =	wrdreg s0;
	s13 =	sadd.s32 $0x4000, s11;
	s14 =	sadd.s32 $0x8000, s11  }
0x12: {  	v0 =	vlaneseq.u32;
	s0 =	sadd.s32 s25, s3;
	s31 =	smax.u32 s16, $0x1;
	s3 =	simm.s32 $0xE000  }
0x13: {  	v1 =	vshrl.u32 v0, $0x1;
	s25 =	simm.s32 $0x6;
	[dreg:$0x6] =	wrdreg s31;
	s0 =	sadd.s32 s26, s0  }
0x14: {  	vm0 =	vmmov $0xffff;
	v0 =	vand.u32 $0x1, v0;
	v1 =	vmul.u32 $0x8, v1;
	s16 =	simm.s32 $0x0;
	s26 =	simm.s32 $0x2;
	[dreg:$0x7] =	wrdreg s0  }
.LBB2_4:
0x15: {  	_ =	swait.ge [sflag:s30], $0x4000  }
0x16: {  	s3 =	simm.s32 $0xE000;
	[sflag:s30] =	ssyncset.done $0x0  }
0x17: {  	s16 =	simm.s32 $0x100;
	s17 =	simm.s32 $0x400;
	[sflag:s30] =	ssyncadd.s32 $0xFFFFC000  }
0x18: {  	[hbm4b:s0+s16] =	stream.strided.scatter [tilespmem:s3], [sflag:$0xB], $0x4000, s17, s16, $0x38;
	[tilespmem:$0x1E000] =	vst v63  }
0x19: {  	s17 =	simm.s32 $0x8  }
0x1a: {  	_ =	swait.ge [sflag:s17], $0x800  }
0x1b: {  	[sflag:s17] =	ssyncset.done $0x0  }
0x1c: {  	s19 =	simm.s32 $0x9;
	[sflag:s17] =	ssyncadd.s32 $0xFFFFF800  }
0x1d: {  	_ =	swait.ge [sflag:s19], $0x800  }
0x1e: {  	[sflag:s19] =	ssyncset.done $0x0  }
0x1f: {  	[sflag:s19] =	ssyncadd.s32 $0xFFFFF800  }
0x20: {  	_ =	swait.ge [sflag:s4], $0x800  }
0x21: {  	[sflag:s4] =	ssyncset.done $0x0  }
0x22: {  	[sflag:s4] =	ssyncadd.s32 $0xFFFFF800  }
0x23: {  	_ =	swait.ge [sflag:s15], $0x4000  }
0x24: {  	s20 =	rddreg [dreg:$0x8]  }
0x25: {  	s31 =	rddreg [dreg:$0x6];
	s16 =	sadd.s32 $0x1, s20  }
0x26: {  	p0 =	sne.s32 s16, s31  }
.Ltmp1:
0x27: {  	_ = 	snop;
	(pc) =	sbr.rel @!p0 .LBB2_5-.Ltmp1, $3  }
0x28: {  	_ =	sdelay $0x1  }
0x29: {  	[sflag:s15] =	ssyncset.done $0x0  }
0x2a: {  	[sflag:s15] =	ssyncadd.s32 $0xFFFFC000  }
.LBB2_1:
0x2b: {  	[dreg:$0x8] =	wrdreg s16  }
0x2c: {  	s0 =	rddreg [dreg:$0x5];
	s19 =	simm.s32 $0xC  }
0x2d: {  	[tilespmem:s2], [sflag:$0xC] =	stream.linear.gather [hbm4b:s0+s2], $0x2000, $0x38;
	[tilespmem:$0x1E000] =	vst v63  }
0x2e: {  	_ =	swait.ge [sflag:s19], $0x2000  }
0x2f: {  	[sflag:s19] =	ssyncset.done $0x0  }
0x30: {  	[sflag:s19] =	ssyncadd.s32 $0xFFFFE000  }
0x31: {  	v2 =	vld.msk [tilespmem:$0x0], $0x3;
	_ =	sdelay $0x4  }
0x32: {  	v3 =	vshll.u32 v2, $0x6  }
0x33: {  	v2 =	vand.u32 $0x7, v2;
	v3 =	vand.u32 $0xFFFFFE00, v3  }
0x34: {  	v2 =	vor.u32 v2, v3  }
0x35: {  	v2 =	vperm.xlane v2, v0;
	_ =	sdelay $0x1  }
0x36: {  	v2 =	vadd.s32 v1, v2;
	_ =	sdelay $0x3  }
0x37: {  	s20 =	simm.s32 $0x2000  }
0x38: {  	[tilespmem:s20], [sflag:$0x1] =	stream.indirect_vreg.gather [hbm4b:s1+s2], $0x80, v2, vm0, $0xb8;
	[tilespmem:$0x1E000] =	vst v63  }
0x39: {  	s31 =	simm.s32 $0x2800  }
0x3a: {  	[tilespmem:s31], [sflag:$0x1] =	stream.indirect_vreg.gather [hbm4b:s5+s2], $0x80, v2, vm0, $0xb8;
	[tilespmem:$0x1E000] =	vst v63  }
0x3b: {  	s16 =	simm.s32 $0x3000  }
0x3c: {  	[tilespmem:s16], [sflag:$0x1] =	stream.indirect_vreg.gather [hbm4b:s6+s2], $0x80, v2, vm0, $0xb8;
	[tilespmem:$0x1E000] =	vst v63  }
0x3d: {  	s17 =	simm.s32 $0x3800  }
0x3e: {  	[tilespmem:s17], [sflag:$0x1] =	stream.indirect_vreg.gather [hbm4b:s7+s2], $0x80, v2, vm0, $0xb8;
	[tilespmem:$0x1E000] =	vst v63  }
0x3f: {  	s19 =	simm.s32 $0x4000  }
0x40: {  	[tilespmem:s19], [sflag:$0x1] =	stream.indirect_vreg.gather [hbm4b:s8+s2], $0x80, v2, vm0, $0xb8;
	[tilespmem:$0x1E000] =	vst v63  }
0x41: {  	s20 =	simm.s32 $0x4800  }
0x42: {  	[tilespmem:s20], [sflag:$0x1] =	stream.indirect_vreg.gather [hbm4b:s9+s2], $0x80, v2, vm0, $0xb8;
	[tilespmem:$0x1E000] =	vst v63  }
0x43: {  	s31 =	simm.s32 $0x5000  }
0x44: {  	[tilespmem:s31], [sflag:$0x1] =	stream.indirect_vreg.gather [hbm4b:s10+s2], $0x80, v2, vm0, $0xb8;
	[tilespmem:$0x1E000] =	vst v63  }
0x45: {  	s16 =	simm.s32 $0x5800  }
0x46: {  	[tilespmem:s16], [sflag:$0x1] =	stream.indirect_vreg.gather [hbm4b:s12+s2], $0x80, v2, vm0, $0xb8;
	[tilespmem:$0x1E000] =	vst v63  }
0x47: {  	v2 =	vld.msk [tilespmem:$0x80], $0x3;
	_ =	sdelay $0x4  }
0x48: {  	v3 =	vshll.u32 v2, $0x6  }
0x49: {  	v2 =	vand.u32 $0x7, v2;
	v3 =	vand.u32 $0xFFFFFE00, v3  }
0x4a: {  	v2 =	vor.u32 v2, v3  }
0x4b: {  	v2 =	vperm.xlane v2, v0;
	_ =	sdelay $0x1  }
0x4c: {  	v2 =	vadd.s32 v1, v2;
	_ =	sdelay $0x3  }
0x4d: {  	s17 =	simm.s32 $0x6000  }
0x4e: {  	[tilespmem:s17], [sflag:$0x2] =	stream.indirect_vreg.gather [hbm4b:s1+s2], $0x80, v2, vm0, $0xb8;
	[tilespmem:$0x1E000] =	vst v63  }
0x4f: {  	s19 =	simm.s32 $0x6800  }
0x50: {  	[tilespmem:s19], [sflag:$0x2] =	stream.indirect_vreg.gather [hbm4b:s5+s2], $0x80, v2, vm0, $0xb8;
	[tilespmem:$0x1E000] =	vst v63  }
0x51: {  	s20 =	simm.s32 $0x7000  }
0x52: {  	[tilespmem:s20], [sflag:$0x2] =	stream.indirect_vreg.gather [hbm4b:s6+s2], $0x80, v2, vm0, $0xb8;
	[tilespmem:$0x1E000] =	vst v63  }
0x53: {  	s31 =	simm.s32 $0x7800  }
0x54: {  	[tilespmem:s31], [sflag:$0x2] =	stream.indirect_vreg.gather [hbm4b:s7+s2], $0x80, v2, vm0, $0xb8;
	[tilespmem:$0x1E000] =	vst v63  }
0x55: {  	s16 =	simm.s32 $0x8000  }
0x56: {  	[tilespmem:s16], [sflag:$0x2] =	stream.indirect_vreg.gather [hbm4b:s8+s2], $0x80, v2, vm0, $0xb8;
	[tilespmem:$0x1E000] =	vst v63  }
0x57: {  	s17 =	simm.s32 $0x8800  }
0x58: {  	[tilespmem:s17], [sflag:$0x2] =	stream.indirect_vreg.gather [hbm4b:s9+s2], $0x80, v2, vm0, $0xb8;
	[tilespmem:$0x1E000] =	vst v63  }
0x59: {  	s19 =	simm.s32 $0x9000  }
0x5a: {  	[tilespmem:s19], [sflag:$0x2] =	stream.indirect_vreg.gather [hbm4b:s10+s2], $0x80, v2, vm0, $0xb8;
	[tilespmem:$0x1E000] =	vst v63  }
0x5b: {  	s20 =	simm.s32 $0x9800  }
0x5c: {  	[tilespmem:s20], [sflag:$0x2] =	stream.indirect_vreg.gather [hbm4b:s12+s2], $0x80, v2, vm0, $0xb8;
	[tilespmem:$0x1E000] =	vst v63  }
0x5d: {  	v2 =	vld.msk [tilespmem:$0x100], $0x3;
	_ =	sdelay $0x4  }
0x5e: {  	v3 =	vshll.u32 v2, $0x6  }
0x5f: {  	v2 =	vand.u32 $0x7, v2;
	v3 =	vand.u32 $0xFFFFFE00, v3  }
0x60: {  	v2 =	vor.u32 v2, v3  }
0x61: {  	v2 =	vperm.xlane v2, v0;
	_ =	sdelay $0x1  }
0x62: {  	v2 =	vadd.s32 v1, v2;
	_ =	sdelay $0x4  }
0x63: {  	[tilespmem:s21], [sflag:$0x3] =	stream.indirect_vreg.gather [hbm4b:s1+s2], $0x80, v2, vm0, $0xb8;
	[tilespmem:$0x1E000] =	vst v63  }
0x64: {  	s31 =	simm.s32 $0xA800  }
0x65: {  	[tilespmem:s31], [sflag:$0x3] =	stream.indirect_vreg.gather [hbm4b:s5+s2], $0x80, v2, vm0, $0xb8;
	[tilespmem:$0x1E000] =	vst v63  }
0x66: {  	s16 =	simm.s32 $0xB000  }
0x67: {  	[tilespmem:s16], [sflag:$0x3] =	stream.indirect_vreg.gather [hbm4b:s6+s2], $0x80, v2, vm0, $0xb8;
	[tilespmem:$0x1E000] =	vst v63  }
0x68: {  	s17 =	simm.s32 $0xB800  }
0x69: {  	[tilespmem:s17], [sflag:$0x3] =	stream.indirect_vreg.gather [hbm4b:s7+s2], $0x80, v2, vm0, $0xb8;
	[tilespmem:$0x1E000] =	vst v63  }
0x6a: {  	s19 =	simm.s32 $0xC000  }
0x6b: {  	[tilespmem:s19], [sflag:$0x3] =	stream.indirect_vreg.gather [hbm4b:s8+s2], $0x80, v2, vm0, $0xb8;
	[tilespmem:$0x1E000] =	vst v63  }
0x6c: {  	s20 =	simm.s32 $0xC800  }
0x6d: {  	[tilespmem:s20], [sflag:$0x3] =	stream.indirect_vreg.gather [hbm4b:s9+s2], $0x80, v2, vm0, $0xb8;
	[tilespmem:$0x1E000] =	vst v63  }
0x6e: {  	s21 =	simm.s32 $0xD000  }
0x6f: {  	[tilespmem:s21], [sflag:$0x3] =	stream.indirect_vreg.gather [hbm4b:s10+s2], $0x80, v2, vm0, $0xb8;
	[tilespmem:$0x1E000] =	vst v63  }
0x70: {  	s31 =	simm.s32 $0xD800  }
0x71: {  	[tilespmem:s31], [sflag:$0x3] =	stream.indirect_vreg.gather [hbm4b:s12+s2], $0x80, v2, vm0, $0xb8;
	[tilespmem:$0x1E000] =	vst v63  }
0x72: {  	v2 =	vld.msk [tilespmem:$0x180], $0x3;
	_ =	sdelay $0x4  }
0x73: {  	v3 =	vshll.u32 v2, $0x6  }
0x74: {  	v2 =	vand.u32 $0x7, v2;
	v3 =	vand.u32 $0xFFFFFE00, v3  }
0x75: {  	v2 =	vor.u32 v2, v3  }
0x76: {  	v2 =	vperm.xlane v2, v0;
	_ =	sdelay $0x1  }
0x77: {  	v2 =	vadd.s32 v1, v2;
	_ =	sdelay $0x4  }
0x78: {  	[tilespmem:s3], [sflag:$0x4] =	stream.indirect_vreg.gather [hbm4b:s1+s2], $0x80, v2, vm0, $0xb8;
	[tilespmem:$0x1E000] =	vst v63  }
0x79: {  	s3 =	simm.s32 $0xE800  }
0x7a: {  	[tilespmem:s3], [sflag:$0x4] =	stream.indirect_vreg.gather [hbm4b:s5+s2], $0x80, v2, vm0, $0xb8;
	[tilespmem:$0x1E000] =	vst v63  }
0x7b: {  	s16 =	simm.s32 $0xF000  }
0x7c: {  	[tilespmem:s16], [sflag:$0x4] =	stream.indirect_vreg.gather [hbm4b:s6+s2], $0x80, v2, vm0, $0xb8;
	[tilespmem:$0x1E000] =	vst v63  }
0x7d: {  	s17 =	simm.s32 $0xF800  }
0x7e: {  	[tilespmem:s17], [sflag:$0x4] =	stream.indirect_vreg.gather [hbm4b:s7+s2], $0x80, v2, vm0, $0xb8;
	[tilespmem:$0x1E000] =	vst v63  }
0x7f: {  	s19 =	simm.s32 $0x10000  }
0x80: {  	[tilespmem:s19], [sflag:$0x4] =	stream.indirect_vreg.gather [hbm4b:s8+s2], $0x80, v2, vm0, $0xb8;
	[tilespmem:$0x1E000] =	vst v63  }
0x81: {  	s20 =	simm.s32 $0x10800  }
0x82: {  	[tilespmem:s20], [sflag:$0x4] =	stream.indirect_vreg.gather [hbm4b:s9+s2], $0x80, v2, vm0, $0xb8;
	[tilespmem:$0x1E000] =	vst v63  }
0x83: {  	s21 =	simm.s32 $0x11000  }
0x84: {  	[tilespmem:s21], [sflag:$0x4] =	stream.indirect_vreg.gather [hbm4b:s10+s2], $0x80, v2, vm0, $0xb8;
	[tilespmem:$0x1E000] =	vst v63  }
0x85: {  	s31 =	simm.s32 $0x11800;
	s3 =	simm.s32 $0x0;
	s17 =	simm.s32 $0x380  }
0x86: {  	[tilespmem:s31], [sflag:$0x4] =	stream.indirect_vreg.gather [hbm4b:s12+s2], $0x80, v2, vm0, $0xb8;
	[tilespmem:$0x1E000] =	vst v63  }
.LBB2_2:
0x87: {  	p0 =	seq.s32 s3, $0x0  }
0x88: {  	s0 =	simm.s32 @!p0 $0x8  }
0x89: {  	_ =	swait.ge @!p0 [sflag:s0], $0x800  }
0x8a: {  	[sflag:s0] =	ssyncset.done @!p0 $0x0  }
0x8b: {  	[sflag:s0] =	ssyncadd.s32 @!p0 $0xFFFFF800  }
0x8c: {  	_ =	swait.ge [sflag:s18], $0x4000  }
0x8d: {  	[sflag:s18] =	ssyncset.done $0x0  }
0x8e: {  	s19 =	simm.s32 $0x2000;
	s20 =	stileid.u32;
	[sflag:s18] =	ssyncadd.s32 $0xFFFFC000  }
0x8f: {  	[spmem:s11] =	stream.linear.scatter [tilespmem:s19], [sflag:$0x5], $0x4000, $0x38;
	[tilespmem:$0x1E000] =	vst v63  }
0x90: {  	p0 =	seq.s32 s3, $0x1E000;
	s19 =	sshll.u32 s20, $0x6;
	_ =	swait.ge [sflag:s22], $0x4000  }
0x91: {  	s16 =	sor.u32 $0x1C08, s19;
	[sflag:s22] =	ssyncset.done $0x0;
	s21 =	rddreg [dreg:$0x7]  }
0x92: {  	[sflag:s22] =	ssyncadd.s32 $0xFFFFC000;
	s0 =	sadd.s32 s3, s21;
	s21 =	sshrl.u32 s11, $0x3  }
0x93: {  	[hbm:s0@s23], [sflag:s16] =	dma.strided [spmem:s21@s24], $0x800, s26, $0x10   }
0x94: {  	v2 =	vld.msk @!p0 [tilespmem:s17+$0xFFFFFE80], $0x3;
	_ =	sdelay $0x4  }
0x95: {  	v3 =	vshll.u32 @!p0 v2, $0x6  }
0x96: {  	v4 =	vlaneseq.u32 @!p0;
	v2 =	vand.u32 @!p0 $0x7, v2;
	v3 =	vand.u32 @!p0 $0xFFFFFE00, v3  }
0x97: {  	v3 =	vor.u32 @!p0 v2, v3;
	v2 =	vand.u32 @!p0 $0x1, v4;
	v4 =	vshrl.u32 @!p0 v4, $0x1  }
0x98: {  	v5 =	vperm.xlane @!p0 v3, v2;
	v3 =	vmul.u32 @!p0 $0x8, v4;
	_ =	sdelay $0x1  }
0x99: {  	v4 =	vadd.s32 @!p0 v3, v5;
	_ =	sdelay $0x3  }
0x9a: {  	vm1 =	vmmov @!p0 $0xffff;
	s16 =	simm.s32 @!p0 $0x0;
	s21 =	simm.s32 @!p0 $0x2000  }
0x9b: {  	[tilespmem:s21], [sflag:$0x1] =	stream.indirect_vreg.gather @!p0 [hbm4b:s1+s16], $0x80, v4, vm1, $0xb8;
	[tilespmem:$0x1E000] =	vst v63  }
0x9c: {  	s21 =	simm.s32 @!p0 $0x2800  }
0x9d: {  	[tilespmem:s21], [sflag:$0x1] =	stream.indirect_vreg.gather @!p0 [hbm4b:s5+s16], $0x80, v4, vm1, $0xb8;
	[tilespmem:$0x1E000] =	vst v63  }
0x9e: {  	s21 =	simm.s32 @!p0 $0x3000  }
0x9f: {  	[tilespmem:s21], [sflag:$0x1] =	stream.indirect_vreg.gather @!p0 [hbm4b:s6+s16], $0x80, v4, vm1, $0xb8;
	[tilespmem:$0x1E000] =	vst v63  }
0xa0: {  	s21 =	simm.s32 @!p0 $0x3800  }
0xa1: {  	[tilespmem:s21], [sflag:$0x1] =	stream.indirect_vreg.gather @!p0 [hbm4b:s7+s16], $0x80, v4, vm1, $0xb8;
	[tilespmem:$0x1E000] =	vst v63  }
0xa2: {  	s21 =	simm.s32 @!p0 $0x4000  }
0xa3: {  	[tilespmem:s21], [sflag:$0x1] =	stream.indirect_vreg.gather @!p0 [hbm4b:s8+s16], $0x80, v4, vm1, $0xb8;
	[tilespmem:$0x1E000] =	vst v63  }
0xa4: {  	p1 =	seq.s32 @!p0 s3, $0x0;
	s21 =	simm.s32 @!p0 $0x4800  }
0xa5: {  	[tilespmem:s21], [sflag:$0x1] =	stream.indirect_vreg.gather @!p0 [hbm4b:s9+s16], $0x80, v4, vm1, $0xb8;
	[tilespmem:$0x1E000] =	vst v63  }
0xa6: {  	p1 =	por p0, !p1;
	s21 =	simm.s32 @!p0 $0x5000  }
0xa7: {  	[tilespmem:s21], [sflag:$0x1] =	stream.indirect_vreg.gather @!p0 [hbm4b:s10+s16], $0x80, v4, vm1, $0xb8;
	[tilespmem:$0x1E000] =	vst v63  }
0xa8: {  	s20 =	simm.s32 @p1 $0x9;
	s21 =	simm.s32 @!p0 $0x5800  }
0xa9: {  	[tilespmem:s21], [sflag:$0x1] =	stream.indirect_vreg.gather @!p0 [hbm4b:s12+s16], $0x80, v4, vm1, $0xb8;
	[tilespmem:$0x1E000] =	vst v63  }
0xaa: {  	_ =	swait.ge @p1 [sflag:s20], $0x800  }
0xab: {  	[sflag:s20] =	ssyncset.done @p1 $0x0  }
0xac: {  	[sflag:s20] =	ssyncadd.s32 @p1 $0xFFFFF800  }
0xad: {  	_ =	swait.ge [sflag:s26], $0x4000  }
0xae: {  	[sflag:s26] =	ssyncset.done $0x0  }
0xaf: {  	s31 =	simm.s32 $0x6000;
	[sflag:s26] =	ssyncadd.s32 $0xFFFFC000  }
0xb0: {  	[spmem:s13] =	stream.linear.scatter [tilespmem:s31], [sflag:$0x6], $0x4000, $0x38;
	[tilespmem:$0x1E000] =	vst v63  }
0xb1: {  	_ =	swait.ge [sflag:s25], $0x4000  }
0xb2: {  	s21 =	sadd.s32 $0x20, s0;
	[sflag:s25] =	ssyncset.done $0x0  }
0xb3: {  	s20 =	sshrl.u32 s13, $0x3;
	s31 =	sor.u32 $0x1C09, s19;
	[sflag:s25] =	ssyncadd.s32 $0xFFFFC000  }
0xb4: {  	[hbm:s21@s23], [sflag:s31] =	dma.strided [spmem:s20@s24], $0x800, s26, $0x10   }
0xb5: {  	v4 =	vld.msk @!p0 [tilespmem:s17+$0xFFFFFF00], $0x3;
	_ =	sdelay $0x4  }
0xb6: {  	v5 =	vshll.u32 @!p0 v4, $0x6  }
0xb7: {  	v4 =	vand.u32 @!p0 $0x7, v4;
	v5 =	vand.u32 @!p0 $0xFFFFFE00, v5  }
0xb8: {  	v4 =	vor.u32 @!p0 v4, v5  }
0xb9: {  	v2 =	vperm.xlane @!p0 v4, v2;
	_ =	sdelay $0x1  }
0xba: {  	v2 =	vadd.s32 @!p0 v3, v2;
	_ =	sdelay $0x3  }
0xbb: {  	s20 =	simm.s32 @!p0 $0x6000  }
0xbc: {  	[tilespmem:s20], [sflag:$0x2] =	stream.indirect_vreg.gather @!p0 [hbm4b:s1+s16], $0x80, v2, vm1, $0xb8;
	[tilespmem:$0x1E000] =	vst v63  }
0xbd: {  	s20 =	simm.s32 @!p0 $0x6800  }
0xbe: {  	[tilespmem:s20], [sflag:$0x2] =	stream.indirect_vreg.gather @!p0 [hbm4b:s5+s16], $0x80, v2, vm1, $0xb8;
	[tilespmem:$0x1E000] =	vst v63  }
0xbf: {  	s20 =	simm.s32 @!p0 $0x7000  }
0xc0: {  	[tilespmem:s20], [sflag:$0x2] =	stream.indirect_vreg.gather @!p0 [hbm4b:s6+s16], $0x80, v2, vm1, $0xb8;
	[tilespmem:$0x1E000] =	vst v63  }
0xc1: {  	s20 =	simm.s32 @!p0 $0x7800  }
0xc2: {  	[tilespmem:s20], [sflag:$0x2] =	stream.indirect_vreg.gather @!p0 [hbm4b:s7+s16], $0x80, v2, vm1, $0xb8;
	[tilespmem:$0x1E000] =	vst v63  }
0xc3: {  	s20 =	simm.s32 @!p0 $0x8000  }
0xc4: {  	[tilespmem:s20], [sflag:$0x2] =	stream.indirect_vreg.gather @!p0 [hbm4b:s8+s16], $0x80, v2, vm1, $0xb8;
	[tilespmem:$0x1E000] =	vst v63  }
0xc5: {  	s20 =	simm.s32 @!p0 $0x8800  }
0xc6: {  	[tilespmem:s20], [sflag:$0x2] =	stream.indirect_vreg.gather @!p0 [hbm4b:s9+s16], $0x80, v2, vm1, $0xb8;
	[tilespmem:$0x1E000] =	vst v63  }
0xc7: {  	s20 =	simm.s32 @!p0 $0x9000  }
0xc8: {  	[tilespmem:s20], [sflag:$0x2] =	stream.indirect_vreg.gather @!p0 [hbm4b:s10+s16], $0x80, v2, vm1, $0xb8;
	[tilespmem:$0x1E000] =	vst v63  }
0xc9: {  	s20 =	simm.s32 @!p0 $0x9800  }
0xca: {  	[tilespmem:s20], [sflag:$0x2] =	stream.indirect_vreg.gather @!p0 [hbm4b:s12+s16], $0x80, v2, vm1, $0xb8;
	[tilespmem:$0x1E000] =	vst v63  }
0xcb: {  	_ =	swait.ge @p1 [sflag:s4], $0x800  }
0xcc: {  	[sflag:s4] =	ssyncset.done @p1 $0x0  }
0xcd: {  	[sflag:s4] =	ssyncadd.s32 @p1 $0xFFFFF800  }
0xce: {  	_ =	swait.ge [sflag:s28], $0x4000  }
0xcf: {  	[sflag:s28] =	ssyncset.done $0x0  }
0xd0: {  	s21 =	simm.s32 $0xA000;
	[sflag:s28] =	ssyncadd.s32 $0xFFFFC000  }
0xd1: {  	[spmem:s14] =	stream.linear.scatter [tilespmem:s21], [sflag:$0x7], $0x4000, $0x38;
	[tilespmem:$0x1E000] =	vst v63  }
.Ltmp2:
0xd2: {  	_ = 	snop;
	(pc) =	sbr.rel @p0 .LBB2_4-.Ltmp2, $4  }
0xd3: {  	_ =	swait.ge [sflag:s29], $0x4000  }
0xd4: {  	s19 =	sor.u32 $0x1C0A, s19;
	s31 =	sshrl.u32 s14, $0x3;
	[sflag:s29] =	ssyncset.done $0x0  }
0xd5: {  	s20 =	sadd.s32 $0x40, s0;
	s0 =	sadd.s32 $0x60, s0;
	[sflag:s29] =	ssyncadd.s32 $0xFFFFC000  }
0xd6: {  	[hbm:s20@s23], [sflag:s19] =	dma.strided [spmem:s31@s24], $0x800, s26, $0x10   }
0xd7: {  	v2 =	vld.msk [tilespmem:s17+$0xFFFFFF80], $0x3;
	_ =	sdelay $0x4  }
0xd8: {  	v3 =	vshll.u32 v2, $0x6  }
0xd9: {  	v2 =	vand.u32 $0x7, v2;
	v3 =	vand.u32 $0xFFFFFE00, v3  }
0xda: {  	v2 =	vor.u32 v2, v3  }
0xdb: {  	v2 =	vperm.xlane v2, v0;
	_ =	sdelay $0x1  }
0xdc: {  	v2 =	vadd.s32 v1, v2;
	_ =	sdelay $0x4  }
0xdd: {  	[tilespmem:s21], [sflag:$0x3] =	stream.indirect_vreg.gather [hbm4b:s1+s2], $0x80, v2, vm0, $0xb8;
	[tilespmem:$0x1E000] =	vst v63  }
0xde: {  	s16 =	simm.s32 $0xA800  }
0xdf: {  	[tilespmem:s16], [sflag:$0x3] =	stream.indirect_vreg.gather [hbm4b:s5+s2], $0x80, v2, vm0, $0xb8;
	[tilespmem:$0x1E000] =	vst v63  }
0xe0: {  	s20 =	simm.s32 $0xB000  }
0xe1: {  	[tilespmem:s20], [sflag:$0x3] =	stream.indirect_vreg.gather [hbm4b:s6+s2], $0x80, v2, vm0, $0xb8;
	[tilespmem:$0x1E000] =	vst v63  }
0xe2: {  	s21 =	simm.s32 $0xB800  }
0xe3: {  	[tilespmem:s21], [sflag:$0x3] =	stream.indirect_vreg.gather [hbm4b:s7+s2], $0x80, v2, vm0, $0xb8;
	[tilespmem:$0x1E000] =	vst v63  }
0xe4: {  	s31 =	simm.s32 $0xC000  }
0xe5: {  	[tilespmem:s31], [sflag:$0x3] =	stream.indirect_vreg.gather [hbm4b:s8+s2], $0x80, v2, vm0, $0xb8;
	[tilespmem:$0x1E000] =	vst v63  }
0xe6: {  	s19 =	simm.s32 $0xC800  }
0xe7: {  	[tilespmem:s19], [sflag:$0x3] =	stream.indirect_vreg.gather [hbm4b:s9+s2], $0x80, v2, vm0, $0xb8;
	[tilespmem:$0x1E000] =	vst v63  }
0xe8: {  	s20 =	simm.s32 $0xD000  }
0xe9: {  	[tilespmem:s20], [sflag:$0x3] =	stream.indirect_vreg.gather [hbm4b:s10+s2], $0x80, v2, vm0, $0xb8;
	[tilespmem:$0x1E000] =	vst v63  }
0xea: {  	s21 =	simm.s32 $0xD800  }
0xeb: {  	[tilespmem:s21], [sflag:$0x3] =	stream.indirect_vreg.gather [hbm4b:s12+s2], $0x80, v2, vm0, $0xb8;
	[tilespmem:$0x1E000] =	vst v63  }
0xec: {  	_ =	swait.ge [sflag:s30], $0x4000  }
0xed: {  	s31 =	simm.s32 $0xE000;
	[sflag:s30] =	ssyncset.done $0x0  }
0xee: {  	s19 =	simm.s32 $0x100;
	s20 =	simm.s32 $0x400;
	[sflag:s30] =	ssyncadd.s32 $0xFFFFC000  }
0xef: {  	[hbm4b:s0+s19] =	stream.strided.scatter [tilespmem:s31], [sflag:$0xB], $0x4000, s20, s19, $0x38;
	[tilespmem:$0x1E000] =	vst v63  }
0xf0: {  	_ =	swait.ge [sflag:s15], $0x4000  }
0xf1: {  	[sflag:s15] =	ssyncset.done $0x0  }
0xf2: {  	[sflag:s15] =	ssyncadd.s32 $0xFFFFC000  }
0xf3: {  	v2 =	vld.msk [tilespmem:s17+$0x0], $0x3;
	_ =	sdelay $0x4  }
0xf4: {  	v3 =	vshll.u32 v2, $0x6  }
0xf5: {  	v2 =	vand.u32 $0x7, v2;
	v3 =	vand.u32 $0xFFFFFE00, v3  }
0xf6: {  	v2 =	vor.u32 v2, v3  }
0xf7: {  	v2 =	vperm.xlane v2, v0;
	_ =	sdelay $0x1  }
0xf8: {  	v2 =	vadd.s32 v1, v2;
	_ =	sdelay $0x4  }
0xf9: {  	[tilespmem:s31], [sflag:$0x4] =	stream.indirect_vreg.gather [hbm4b:s1+s2], $0x80, v2, vm0, $0xb8;
	[tilespmem:$0x1E000] =	vst v63  }
0xfa: {  	s21 =	simm.s32 $0xE800  }
0xfb: {  	[tilespmem:s21], [sflag:$0x4] =	stream.indirect_vreg.gather [hbm4b:s5+s2], $0x80, v2, vm0, $0xb8;
	[tilespmem:$0x1E000] =	vst v63  }
0xfc: {  	s31 =	simm.s32 $0xF000  }
0xfd: {  	[tilespmem:s31], [sflag:$0x4] =	stream.indirect_vreg.gather [hbm4b:s6+s2], $0x80, v2, vm0, $0xb8;
	[tilespmem:$0x1E000] =	vst v63  }
0xfe: {  	s16 =	simm.s32 $0xF800  }
0xff: {  	[tilespmem:s16], [sflag:$0x4] =	stream.indirect_vreg.gather [hbm4b:s7+s2], $0x80, v2, vm0, $0xb8;
	[tilespmem:$0x1E000] =	vst v63  }
0x100: {  	s19 =	simm.s32 $0x10000  }
0x101: {  	[tilespmem:s19], [sflag:$0x4] =	stream.indirect_vreg.gather [hbm4b:s8+s2], $0x80, v2, vm0, $0xb8;
	[tilespmem:$0x1E000] =	vst v63  }
0x102: {  	s20 =	simm.s32 $0x10800  }
0x103: {  	[tilespmem:s20], [sflag:$0x4] =	stream.indirect_vreg.gather [hbm4b:s9+s2], $0x80, v2, vm0, $0xb8;
	[tilespmem:$0x1E000] =	vst v63  }
.Ltmp3:
0x104: {  	_ = 	snop;
	(pc) =	sbr.rel .LBB2_2-.Ltmp3, $4  }
0x105: {  	s21 =	simm.s32 $0x11000  }
0x106: {  	[tilespmem:s21], [sflag:$0x4] =	stream.indirect_vreg.gather [hbm4b:s10+s2], $0x80, v2, vm0, $0xb8;
	[tilespmem:$0x1E000] =	vst v63  }
0x107: {  	s3 =	sadd.s32 $0x2000, s3;
	s17 =	sadd.s32 $0x200, s17;
	s31 =	simm.s32 $0x11800  }
0x108: {  	[tilespmem:s31], [sflag:$0x4] =	stream.indirect_vreg.gather [hbm4b:s12+s2], $0x80, v2, vm0, $0xb8;
	[tilespmem:$0x1E000] =	vst v63  }
.LBB2_5:
0x109: {  	_ =	sfence.sel $0x180000  }
0x10a: {  	[bflag:$0x0] =	sbarrier.arrive $0xFFFF  }
0x10b: {  	_ =	strace $0x90000047  }
0x10c: {  	s0 =	stileid.u32;
	[bflag:$0x2] =	sbarrier.arrive $0xFFFF  }
0x10d: {  	p0 =	sne.s32 s0, $0x0;
	s0 =	rddreg [dreg:$0x4]  }
0x10e: {  	s0 =	sadd.s32 @!p0 $0x100000, s0  }
0x10f: {  	[sflag:s0] =	ssyncadd.tile.s32 @!p0 $0x1;
	_ =	shalt  }
.Lfunc_end2:
_tile_overlayer_lowered:
.L_overlay_start_2:
0x110: {  	(tag) =	ssettag $0x2  }
0x111: {  	s0 =	rddreg [dreg:$0x0];
	s2 =	stileid.u32  }
0x112: {  	s1 =	rddreg [dreg:$0x1];
	p0 =	sne.s32 s2, $0x0  }
0x113: {  	s3 =	rddreg [dreg:$0x2];
	[bflag:$0x3] =	sbarrier.arrive $0xFFFF;
	s2 =	simm.s32 @!p0 $0x1C0C  }
0x114: {  	[timem:s3], [sflag:s2] =	dma.local @!p0 [hbm:s0], s1  }
0x115: {  	s0 =	simm.s32 @!p0 $0xC  }
0x116: {  	_ =	swait.ge @!p0 [sflag:s0], s1  }
0x117: {  	s1 =	ssub.s32 @!p0 $0x0, s1;
	[sflag:s0] =	ssyncset.done @!p0 $0x0  }
0x118: {  	[sflag:s0] =	ssyncadd.s32 @!p0 s1  }
0x119: {  	[bflag:$0x3] =	sbarrier.arrive $0xFFFF  }
0x11a: {  	_ =	shalt  }

</sc_bundles>
